<compile_context>
chip_gen: v7x
topology: tpu7x:2x2x1
jax: 0.10.2.dev20260603
libtpu: 0.0.44.dev20260713+nightly
codegen_flags: <defaults>
</compile_context>

<pallas_src>
import functools

import jax
import jax.numpy as jnp
from jax import lax
from jax.experimental import pallas as pl
from jax.experimental.pallas import tpu as pltpu
from jax.experimental.pallas import tpu_sc as plsc

_NUM_CORES = 2
_NUM_SUBCORES = 16
_NUM_WORKERS = _NUM_CORES * _NUM_SUBCORES


def kernel(cache, blocks):
    n = blocks.shape[0]
    rows_per_w = n // _NUM_WORKERS
    out_shape = (n,) + cache.shape[1:]

    mesh = plsc.VectorSubcoreMesh(
        core_axis_name="c",
        subcore_axis_name="s",
        num_cores=_NUM_CORES,
        num_subcores=_NUM_SUBCORES,
    )

    @functools.partial(
        pl.kernel,
        out_type=jax.ShapeDtypeStruct(out_shape, cache.dtype),
        mesh=mesh,
        scratch_types=[pltpu.SemaphoreType.DMA],
    )
    def _copy(cache_hbm, out_hbm, sem):
        wid = lax.axis_index("s") * _NUM_CORES + lax.axis_index("c")
        base = wid * rows_per_w
        copies = [
            pltpu.make_async_copy(
                cache_hbm.at[pl.ds(base + r, 1)],
                out_hbm.at[pl.ds(base + r, 1)],
                sem,
            )
            for r in range(rows_per_w)
        ]
        for c in copies:
            c.start()
        for c in copies:
            c.wait()

    return _copy(cache)

# --- scband reference (transcript-rebuilt; emitter-appended) ---
"""Pipeline reference for scband-fetch-from-cache-21088289423760 (READ-ONLY COPY).

The authoritative reference and input builder live on the scoring server;
editing this copy changes nothing except your own understanding.
"""

import jax, jax.numpy as jnp
import numpy as np


def setup_inputs(seed: int = 0) -> dict:
    key = jax.random.key(seed)
    k1, k2 = jax.random.split(key)
    # Paged KV cache pool: [num_blocks, block_size, num_kv_heads, head_dim]
    cache = jax.random.normal(k1, (2048, 128, 4, 128), dtype=jnp.float32)
    # Active block table entries for the running batch (32 seqs * 4096 kv / 128 block = 1024)
    blocks = jax.random.randint(k2, (1024,), 0, 2048, dtype=jnp.int32)
    return {"cache": cache, "blocks": blocks}


def reference(cache, blocks):
    # Faithful translation of FetchFromCache.forward with the default
    # VLLM_CONTIGUOUS_PA='true' path: take the first blocks.size(0) cache rows.
    # (The non-contiguous path would be jnp.take(cache, blocks, axis=0).)
    n = blocks.shape[0]
    out = cache[:n]
    # cache dtype is float32 (not float8_e4m3fn), so no fp8->bf16 cast branch.
    return out

if __name__ == "__main__":
    import jax
    _d = setup_inputs()
    print(jax.jit(kernel)(*tuple(_d.values())))

</pallas_src>

<mosaic_0001>
#map = affine_map<(d0, d1) -> (0, 0, 0, 0)>
module attributes {stable_mosaic.version = 14 : i64} {
  func.func @_copy(%arg0: i32, %arg1: i32, %arg2: memref<2048x128x4x128xf32, #tpu.memory_space<hbm>>, %arg3: memref<1024x128x4x128xf32, #tpu.memory_space<hbm>>, %arg4: memref<!tpu.dma_semaphore, #tpu.memory_space<semaphore_mem>>) attributes {dimension_semantics = [#tpu.dimension_semantics<core_parallel>, #tpu.dimension_semantics<subcore_parallel>], iteration_bounds = array<i64: 2, 16>, scalar_prefetch = 0 : i64, scratch_operands = 1 : i64, tpu.core_type = #tpu.core_type<sc_vector_subcore>, window_params = [{transform_indices = #map}, {transform_indices = #map}]} {
    %mul3A = arith.constant 2 : i32
    %mul3A_0 = arith.muli %arg1, %mul3A : i32
    %add3A = arith.addi %mul3A_0, %arg0 : i32
    %mul3A_1 = arith.constant 32 : i32
    %mul3A_2 = arith.muli %add3A, %mul3A_1 : i32
    %add3A_3 = arith.constant 0 : i32
    %add3A_4 = arith.addi %mul3A_2, %add3A_3 : i32
    %add3A_5 = arith.constant 0 : i32
    %add3A_6 = arith.addi %mul3A_2, %add3A_5 : i32
    %add3A_7 = arith.constant 1 : i32
    %add3A_8 = arith.addi %mul3A_2, %add3A_7 : i32
    %add3A_9 = arith.constant 1 : i32
    %add3A_10 = arith.addi %mul3A_2, %add3A_9 : i32
    %add3A_11 = arith.constant 2 : i32
    %add3A_12 = arith.addi %mul3A_2, %add3A_11 : i32
    %add3A_13 = arith.constant 2 : i32
    %add3A_14 = arith.addi %mul3A_2, %add3A_13 : i32
    %add3A_15 = arith.constant 3 : i32
    %add3A_16 = arith.addi %mul3A_2, %add3A_15 : i32
    %add3A_17 = arith.constant 3 : i32
    %add3A_18 = arith.addi %mul3A_2, %add3A_17 : i32
    %add3A_19 = arith.constant 4 : i32
    %add3A_20 = arith.addi %mul3A_2, %add3A_19 : i32
    %add3A_21 = arith.constant 4 : i32
    %add3A_22 = arith.addi %mul3A_2, %add3A_21 : i32
    %add3A_23 = arith.constant 5 : i32
    %add3A_24 = arith.addi %mul3A_2, %add3A_23 : i32
    %add3A_25 = arith.constant 5 : i32
    %add3A_26 = arith.addi %mul3A_2, %add3A_25 : i32
    %add3A_27 = arith.constant 6 : i32
    %add3A_28 = arith.addi %mul3A_2, %add3A_27 : i32
    %add3A_29 = arith.constant 6 : i32
    %add3A_30 = arith.addi %mul3A_2, %add3A_29 : i32
    %add3A_31 = arith.constant 7 : i32
    %add3A_32 = arith.addi %mul3A_2, %add3A_31 : i32
    %add3A_33 = arith.constant 7 : i32
    %add3A_34 = arith.addi %mul3A_2, %add3A_33 : i32
    %add3A_35 = arith.constant 8 : i32
    %add3A_36 = arith.addi %mul3A_2, %add3A_35 : i32
    %add3A_37 = arith.constant 8 : i32
    %add3A_38 = arith.addi %mul3A_2, %add3A_37 : i32
    %add3A_39 = arith.constant 9 : i32
    %add3A_40 = arith.addi %mul3A_2, %add3A_39 : i32
    %add3A_41 = arith.constant 9 : i32
    %add3A_42 = arith.addi %mul3A_2, %add3A_41 : i32
    %add3A_43 = arith.constant 10 : i32
    %add3A_44 = arith.addi %mul3A_2, %add3A_43 : i32
    %add3A_45 = arith.constant 10 : i32
    %add3A_46 = arith.addi %mul3A_2, %add3A_45 : i32
    %add3A_47 = arith.constant 11 : i32
    %add3A_48 = arith.addi %mul3A_2, %add3A_47 : i32
    %add3A_49 = arith.constant 11 : i32
    %add3A_50 = arith.addi %mul3A_2, %add3A_49 : i32
    %add3A_51 = arith.constant 12 : i32
    %add3A_52 = arith.addi %mul3A_2, %add3A_51 : i32
    %add3A_53 = arith.constant 12 : i32
    %add3A_54 = arith.addi %mul3A_2, %add3A_53 : i32
    %add3A_55 = arith.constant 13 : i32
    %add3A_56 = arith.addi %mul3A_2, %add3A_55 : i32
    %add3A_57 = arith.constant 13 : i32
    %add3A_58 = arith.addi %mul3A_2, %add3A_57 : i32
    %add3A_59 = arith.constant 14 : i32
    %add3A_60 = arith.addi %mul3A_2, %add3A_59 : i32
    %add3A_61 = arith.constant 14 : i32
    %add3A_62 = arith.addi %mul3A_2, %add3A_61 : i32
    %add3A_63 = arith.constant 15 : i32
    %add3A_64 = arith.addi %mul3A_2, %add3A_63 : i32
    %add3A_65 = arith.constant 15 : i32
    %add3A_66 = arith.addi %mul3A_2, %add3A_65 : i32
    %add3A_67 = arith.constant 16 : i32
    %add3A_68 = arith.addi %mul3A_2, %add3A_67 : i32
    %add3A_69 = arith.constant 16 : i32
    %add3A_70 = arith.addi %mul3A_2, %add3A_69 : i32
    %add3A_71 = arith.constant 17 : i32
    %add3A_72 = arith.addi %mul3A_2, %add3A_71 : i32
    %add3A_73 = arith.constant 17 : i32
    %add3A_74 = arith.addi %mul3A_2, %add3A_73 : i32
    %add3A_75 = arith.constant 18 : i32
    %add3A_76 = arith.addi %mul3A_2, %add3A_75 : i32
    %add3A_77 = arith.constant 18 : i32
    %add3A_78 = arith.addi %mul3A_2, %add3A_77 : i32
    %add3A_79 = arith.constant 19 : i32
    %add3A_80 = arith.addi %mul3A_2, %add3A_79 : i32
    %add3A_81 = arith.constant 19 : i32
    %add3A_82 = arith.addi %mul3A_2, %add3A_81 : i32
    %add3A_83 = arith.constant 20 : i32
    %add3A_84 = arith.addi %mul3A_2, %add3A_83 : i32
    %add3A_85 = arith.constant 20 : i32
    %add3A_86 = arith.addi %mul3A_2, %add3A_85 : i32
    %add3A_87 = arith.constant 21 : i32
    %add3A_88 = arith.addi %mul3A_2, %add3A_87 : i32
    %add3A_89 = arith.constant 21 : i32
    %add3A_90 = arith.addi %mul3A_2, %add3A_89 : i32
    %add3A_91 = arith.constant 22 : i32
    %add3A_92 = arith.addi %mul3A_2, %add3A_91 : i32
    %add3A_93 = arith.constant 22 : i32
    %add3A_94 = arith.addi %mul3A_2, %add3A_93 : i32
    %add3A_95 = arith.constant 23 : i32
    %add3A_96 = arith.addi %mul3A_2, %add3A_95 : i32
    %add3A_97 = arith.constant 23 : i32
    %add3A_98 = arith.addi %mul3A_2, %add3A_97 : i32
    %add3A_99 = arith.constant 24 : i32
    %add3A_100 = arith.addi %mul3A_2, %add3A_99 : i32
    %add3A_101 = arith.constant 24 : i32
    %add3A_102 = arith.addi %mul3A_2, %add3A_101 : i32
    %add3A_103 = arith.constant 25 : i32
    %add3A_104 = arith.addi %mul3A_2, %add3A_103 : i32
    %add3A_105 = arith.constant 25 : i32
    %add3A_106 = arith.addi %mul3A_2, %add3A_105 : i32
    %add3A_107 = arith.constant 26 : i32
    %add3A_108 = arith.addi %mul3A_2, %add3A_107 : i32
    %add3A_109 = arith.constant 26 : i32
    %add3A_110 = arith.addi %mul3A_2, %add3A_109 : i32
    %add3A_111 = arith.constant 27 : i32
    %add3A_112 = arith.addi %mul3A_2, %add3A_111 : i32
    %add3A_113 = arith.constant 27 : i32
    %add3A_114 = arith.addi %mul3A_2, %add3A_113 : i32
    %add3A_115 = arith.constant 28 : i32
    %add3A_116 = arith.addi %mul3A_2, %add3A_115 : i32
    %add3A_117 = arith.constant 28 : i32
    %add3A_118 = arith.addi %mul3A_2, %add3A_117 : i32
    %add3A_119 = arith.constant 29 : i32
    %add3A_120 = arith.addi %mul3A_2, %add3A_119 : i32
    %add3A_121 = arith.constant 29 : i32
    %add3A_122 = arith.addi %mul3A_2, %add3A_121 : i32
    %add3A_123 = arith.constant 30 : i32
    %add3A_124 = arith.addi %mul3A_2, %add3A_123 : i32
    %add3A_125 = arith.constant 30 : i32
    %add3A_126 = arith.addi %mul3A_2, %add3A_125 : i32
    %add3A_127 = arith.constant 31 : i32
    %add3A_128 = arith.addi %mul3A_2, %add3A_127 : i32
    %add3A_129 = arith.constant 31 : i32
    %add3A_130 = arith.addi %mul3A_2, %add3A_129 : i32
    %dma_start3A = arith.constant 0 : i32
    %dma_start3A_131 = arith.constant 0 : i32
    %dma_start3A_132 = arith.constant 0 : i32
    %dma_start3A_133 = tpu.memref_slice %arg3[%add3A_6, %dma_start3A, %dma_start3A_131, %dma_start3A_132] : memref<1024x128x4x128xf32, #tpu.memory_space<hbm>> -> memref<1x128x4x128xf32, #tpu.memory_space<hbm>>
    %dma_start3A_134 = arith.constant 0 : i32
    %dma_start3A_135 = arith.constant 0 : i32
    %dma_start3A_136 = arith.constant 0 : i32
    %dma_start3A_137 = tpu.memref_slice %arg2[%add3A_4, %dma_start3A_134, %dma_start3A_135, %dma_start3A_136] : memref<2048x128x4x128xf32, #tpu.memory_space<hbm>> -> memref<1x128x4x128xf32, #tpu.memory_space<hbm>>
    tpu.enqueue_dma source(%dma_start3A_137 : memref<1x128x4x128xf32, #tpu.memory_space<hbm>>) target(%dma_start3A_133 : memref<1x128x4x128xf32, #tpu.memory_space<hbm>>) target_semaphore(%arg4 : memref<!tpu.dma_semaphore, #tpu.memory_space<semaphore_mem>>)
    %dma_start3A_138 = arith.constant 0 : i32
    %dma_start3A_139 = arith.constant 0 : i32
    %dma_start3A_140 = arith.constant 0 : i32
    %dma_start3A_141 = tpu.memref_slice %arg3[%add3A_10, %dma_start3A_138, %dma_start3A_139, %dma_start3A_140] : memref<1024x128x4x128xf32, #tpu.memory_space<hbm>> -> memref<1x128x4x128xf32, #tpu.memory_space<hbm>>
    %dma_start3A_142 = arith.constant 0 : i32
    %dma_start3A_143 = arith.constant 0 : i32
    %dma_start3A_144 = arith.constant 0 : i32
    %dma_start3A_145 = tpu.memref_slice %arg2[%add3A_8, %dma_start3A_142, %dma_start3A_143, %dma_start3A_144] : memref<2048x128x4x128xf32, #tpu.memory_space<hbm>> -> memref<1x128x4x128xf32, #tpu.memory_space<hbm>>
    tpu.enqueue_dma source(%dma_start3A_145 : memref<1x128x4x128xf32, #tpu.memory_space<hbm>>) target(%dma_start3A_141 : memref<1x128x4x128xf32, #tpu.memory_space<hbm>>) target_semaphore(%arg4 : memref<!tpu.dma_semaphore, #tpu.memory_space<semaphore_mem>>)
    %dma_start3A_146 = arith.constant 0 : i32
    %dma_start3A_147 = arith.constant 0 : i32
    %dma_start3A_148 = arith.constant 0 : i32
    %dma_start3A_149 = tpu.memref_slice %arg3[%add3A_14, %dma_start3A_146, %dma_start3A_147, %dma_start3A_148] : memref<1024x128x4x128xf32, #tpu.memory_space<hbm>> -> memref<1x128x4x128xf32, #tpu.memory_space<hbm>>
    %dma_start3A_150 = arith.constant 0 : i32
    %dma_start3A_151 = arith.constant 0 : i32
    %dma_start3A_152 = arith.constant 0 : i32
    %dma_start3A_153 = tpu.memref_slice %arg2[%add3A_12, %dma_start3A_150, %dma_start3A_151, %dma_start3A_152] : memref<2048x128x4x128xf32, #tpu.memory_space<hbm>> -> memref<1x128x4x128xf32, #tpu.memory_space<hbm>>
    tpu.enqueue_dma source(%dma_start3A_153 : memref<1x128x4x128xf32, #tpu.memory_space<hbm>>) target(%dma_start3A_149 : memref<1x128x4x128xf32, #tpu.memory_space<hbm>>) target_semaphore(%arg4 : memref<!tpu.dma_semaphore, #tpu.memory_space<semaphore_mem>>)
    %dma_start3A_154 = arith.constant 0 : i32
    %dma_start3A_155 = arith.constant 0 : i32
    %dma_start3A_156 = arith.constant 0 : i32
    %dma_start3A_157 = tpu.memref_slice %arg3[%add3A_18, %dma_start3A_154, %dma_start3A_155, %dma_start3A_156] : memref<1024x128x4x128xf32, #tpu.memory_space<hbm>> -> memref<1x128x4x128xf32, #tpu.memory_space<hbm>>
    %dma_start3A_158 = arith.constant 0 : i32
    %dma_start3A_159 = arith.constant 0 : i32
    %dma_start3A_160 = arith.constant 0 : i32
    %dma_start3A_161 = tpu.memref_slice %arg2[%add3A_16, %dma_start3A_158, %dma_start3A_159, %dma_start3A_160] : memref<2048x128x4x128xf32, #tpu.memory_space<hbm>> -> memref<1x128x4x128xf32, #tpu.memory_space<hbm>>
    tpu.enqueue_dma source(%dma_start3A_161 : memref<1x128x4x128xf32, #tpu.memory_space<hbm>>) target(%dma_start3A_157 : memref<1x128x4x128xf32, #tpu.memory_space<hbm>>) target_semaphore(%arg4 : memref<!tpu.dma_semaphore, #tpu.memory_space<semaphore_mem>>)
    %dma_start3A_162 = arith.constant 0 : i32
    %dma_start3A_163 = arith.constant 0 : i32
    %dma_start3A_164 = arith.constant 0 : i32
    %dma_start3A_165 = tpu.memref_slice %arg3[%add3A_22, %dma_start3A_162, %dma_start3A_163, %dma_start3A_164] : memref<1024x128x4x128xf32, #tpu.memory_space<hbm>> -> memref<1x128x4x128xf32, #tpu.memory_space<hbm>>
    %dma_start3A_166 = arith.constant 0 : i32
    %dma_start3A_167 = arith.constant 0 : i32
    %dma_start3A_168 = arith.constant 0 : i32
    %dma_start3A_169 = tpu.memref_slice %arg2[%add3A_20, %dma_start3A_166, %dma_start3A_167, %dma_start3A_168] : memref<2048x128x4x128xf32, #tpu.memory_space<hbm>> -> memref<1x128x4x128xf32, #tpu.memory_space<hbm>>
    tpu.enqueue_dma source(%dma_start3A_169 : memref<1x128x4x128xf32, #tpu.memory_space<hbm>>) target(%dma_start3A_165 : memref<1x128x4x128xf32, #tpu.memory_space<hbm>>) target_semaphore(%arg4 : memref<!tpu.dma_semaphore, #tpu.memory_space<semaphore_mem>>)
    %dma_start3A_170 = arith.constant 0 : i32
    %dma_start3A_171 = arith.constant 0 : i32
    %dma_start3A_172 = arith.constant 0 : i32
    %dma_start3A_173 = tpu.memref_slice %arg3[%add3A_26, %dma_start3A_170, %dma_start3A_171, %dma_start3A_172] : memref<1024x128x4x128xf32, #tpu.memory_space<hbm>> -> memref<1x128x4x128xf32, #tpu.memory_space<hbm>>
    %dma_start3A_174 = arith.constant 0 : i32
    %dma_start3A_175 = arith.constant 0 : i32
    %dma_start3A_176 = arith.constant 0 : i32
    %dma_start3A_177 = tpu.memref_slice %arg2[%add3A_24, %dma_start3A_174, %dma_start3A_175, %dma_start3A_176] : memref<2048x128x4x128xf32, #tpu.memory_space<hbm>> -> memref<1x128x4x128xf32, #tpu.memory_space<hbm>>
    tpu.enqueue_dma source(%dma_start3A_177 : memref<1x128x4x128xf32, #tpu.memory_space<hbm>>) target(%dma_start3A_173 : memref<1x128x4x128xf32, #tpu.memory_space<hbm>>) target_semaphore(%arg4 : memref<!tpu.dma_semaphore, #tpu.memory_space<semaphore_mem>>)
    %dma_start3A_178 = arith.constant 0 : i32
    %dma_start3A_179 = arith.constant 0 : i32
    %dma_start3A_180 = arith.constant 0 : i32
    %dma_start3A_181 = tpu.memref_slice %arg3[%add3A_30, %dma_start3A_178, %dma_start3A_179, %dma_start3A_180] : memref<1024x128x4x128xf32, #tpu.memory_space<hbm>> -> memref<1x128x4x128xf32, #tpu.memory_space<hbm>>
    %dma_start3A_182 = arith.constant 0 : i32
    %dma_start3A_183 = arith.constant 0 : i32
    %dma_start3A_184 = arith.constant 0 : i32
    %dma_start3A_185 = tpu.memref_slice %arg2[%add3A_28, %dma_start3A_182, %dma_start3A_183, %dma_start3A_184] : memref<2048x128x4x128xf32, #tpu.memory_space<hbm>> -> memref<1x128x4x128xf32, #tpu.memory_space<hbm>>
    tpu.enqueue_dma source(%dma_start3A_185 : memref<1x128x4x128xf32, #tpu.memory_space<hbm>>) target(%dma_start3A_181 : memref<1x128x4x128xf32, #tpu.memory_space<hbm>>) target_semaphore(%arg4 : memref<!tpu.dma_semaphore, #tpu.memory_space<semaphore_mem>>)
    %dma_start3A_186 = arith.constant 0 : i32
    %dma_start3A_187 = arith.constant 0 : i32
    %dma_start3A_188 = arith.constant 0 : i32
    %dma_start3A_189 = tpu.memref_slice %arg3[%add3A_34, %dma_start3A_186, %dma_start3A_187, %dma_start3A_188] : memref<1024x128x4x128xf32, #tpu.memory_space<hbm>> -> memref<1x128x4x128xf32, #tpu.memory_space<hbm>>
    %dma_start3A_190 = arith.constant 0 : i32
    %dma_start3A_191 = arith.constant 0 : i32
    %dma_start3A_192 = arith.constant 0 : i32
    %dma_start3A_193 = tpu.memref_slice %arg2[%add3A_32, %dma_start3A_190, %dma_start3A_191, %dma_start3A_192] : memref<2048x128x4x128xf32, #tpu.memory_space<hbm>> -> memref<1x128x4x128xf32, #tpu.memory_space<hbm>>
    tpu.enqueue_dma source(%dma_start3A_193 : memref<1x128x4x128xf32, #tpu.memory_space<hbm>>) target(%dma_start3A_189 : memref<1x128x4x128xf32, #tpu.memory_space<hbm>>) target_semaphore(%arg4 : memref<!tpu.dma_semaphore, #tpu.memory_space<semaphore_mem>>)
    %dma_start3A_194 = arith.constant 0 : i32
    %dma_start3A_195 = arith.constant 0 : i32
    %dma_start3A_196 = arith.constant 0 : i32
    %dma_start3A_197 = tpu.memref_slice %arg3[%add3A_38, %dma_start3A_194, %dma_start3A_195, %dma_start3A_196] : memref<1024x128x4x128xf32, #tpu.memory_space<hbm>> -> memref<1x128x4x128xf32, #tpu.memory_space<hbm>>
    %dma_start3A_198 = arith.constant 0 : i32
    %dma_start3A_199 = arith.constant 0 : i32
    %dma_start3A_200 = arith.constant 0 : i32
    %dma_start3A_201 = tpu.memref_slice %arg2[%add3A_36, %dma_start3A_198, %dma_start3A_199, %dma_start3A_200] : memref<2048x128x4x128xf32, #tpu.memory_space<hbm>> -> memref<1x128x4x128xf32, #tpu.memory_space<hbm>>
    tpu.enqueue_dma source(%dma_start3A_201 : memref<1x128x4x128xf32, #tpu.memory_space<hbm>>) target(%dma_start3A_197 : memref<1x128x4x128xf32, #tpu.memory_space<hbm>>) target_semaphore(%arg4 : memref<!tpu.dma_semaphore, #tpu.memory_space<semaphore_mem>>)
    %dma_start3A_202 = arith.constant 0 : i32
    %dma_start3A_203 = arith.constant 0 : i32
    %dma_start3A_204 = arith.constant 0 : i32
    %dma_start3A_205 = tpu.memref_slice %arg3[%add3A_42, %dma_start3A_202, %dma_start3A_203, %dma_start3A_204] : memref<1024x128x4x128xf32, #tpu.memory_space<hbm>> -> memref<1x128x4x128xf32, #tpu.memory_space<hbm>>
    %dma_start3A_206 = arith.constant 0 : i32
    %dma_start3A_207 = arith.constant 0 : i32
    %dma_start3A_208 = arith.constant 0 : i32
    %dma_start3A_209 = tpu.memref_slice %arg2[%add3A_40, %dma_start3A_206, %dma_start3A_207, %dma_start3A_208] : memref<2048x128x4x128xf32, #tpu.memory_space<hbm>> -> memref<1x128x4x128xf32, #tpu.memory_space<hbm>>
    tpu.enqueue_dma source(%dma_start3A_209 : memref<1x128x4x128xf32, #tpu.memory_space<hbm>>) target(%dma_start3A_205 : memref<1x128x4x128xf32, #tpu.memory_space<hbm>>) target_semaphore(%arg4 : memref<!tpu.dma_semaphore, #tpu.memory_space<semaphore_mem>>)
    %dma_start3A_210 = arith.constant 0 : i32
    %dma_start3A_211 = arith.constant 0 : i32
    %dma_start3A_212 = arith.constant 0 : i32
    %dma_start3A_213 = tpu.memref_slice %arg3[%add3A_46, %dma_start3A_210, %dma_start3A_211, %dma_start3A_212] : memref<1024x128x4x128xf32, #tpu.memory_space<hbm>> -> memref<1x128x4x128xf32, #tpu.memory_space<hbm>>
    %dma_start3A_214 = arith.constant 0 : i32
    %dma_start3A_215 = arith.constant 0 : i32
    %dma_start3A_216 = arith.constant 0 : i32
    %dma_start3A_217 = tpu.memref_slice %arg2[%add3A_44, %dma_start3A_214, %dma_start3A_215, %dma_start3A_216] : memref<2048x128x4x128xf32, #tpu.memory_space<hbm>> -> memref<1x128x4x128xf32, #tpu.memory_space<hbm>>
    tpu.enqueue_dma source(%dma_start3A_217 : memref<1x128x4x128xf32, #tpu.memory_space<hbm>>) target(%dma_start3A_213 : memref<1x128x4x128xf32, #tpu.memory_space<hbm>>) target_semaphore(%arg4 : memref<!tpu.dma_semaphore, #tpu.memory_space<semaphore_mem>>)
    %dma_start3A_218 = arith.constant 0 : i32
    %dma_start3A_219 = arith.constant 0 : i32
    %dma_start3A_220 = arith.constant 0 : i32
    %dma_start3A_221 = tpu.memref_slice %arg3[%add3A_50, %dma_start3A_218, %dma_start3A_219, %dma_start3A_220] : memref<1024x128x4x128xf32, #tpu.memory_space<hbm>> -> memref<1x128x4x128xf32, #tpu.memory_space<hbm>>
    %dma_start3A_222 = arith.constant 0 : i32
    %dma_start3A_223 = arith.constant 0 : i32
    %dma_start3A_224 = arith.constant 0 : i32
    %dma_start3A_225 = tpu.memref_slice %arg2[%add3A_48, %dma_start3A_222, %dma_start3A_223, %dma_start3A_224] : memref<2048x128x4x128xf32, #tpu.memory_space<hbm>> -> memref<1x128x4x128xf32, #tpu.memory_space<hbm>>
    tpu.enqueue_dma source(%dma_start3A_225 : memref<1x128x4x128xf32, #tpu.memory_space<hbm>>) target(%dma_start3A_221 : memref<1x128x4x128xf32, #tpu.memory_space<hbm>>) target_semaphore(%arg4 : memref<!tpu.dma_semaphore, #tpu.memory_space<semaphore_mem>>)
    %dma_start3A_226 = arith.constant 0 : i32
    %dma_start3A_227 = arith.constant 0 : i32
    %dma_start3A_228 = arith.constant 0 : i32
    %dma_start3A_229 = tpu.memref_slice %arg3[%add3A_54, %dma_start3A_226, %dma_start3A_227, %dma_start3A_228] : memref<1024x128x4x128xf32, #tpu.memory_space<hbm>> -> memref<1x128x4x128xf32, #tpu.memory_space<hbm>>
    %dma_start3A_230 = arith.constant 0 : i32
    %dma_start3A_231 = arith.constant 0 : i32
    %dma_start3A_232 = arith.constant 0 : i32
    %dma_start3A_233 = tpu.memref_slice %arg2[%add3A_52, %dma_start3A_230, %dma_start3A_231, %dma_start3A_232] : memref<2048x128x4x128xf32, #tpu.memory_space<hbm>> -> memref<1x128x4x128xf32, #tpu.memory_space<hbm>>
    tpu.enqueue_dma source(%dma_start3A_233 : memref<1x128x4x128xf32, #tpu.memory_space<hbm>>) target(%dma_start3A_229 : memref<1x128x4x128xf32, #tpu.memory_space<hbm>>) target_semaphore(%arg4 : memref<!tpu.dma_semaphore, #tpu.memory_space<semaphore_mem>>)
    %dma_start3A_234 = arith.constant 0 : i32
    %dma_start3A_235 = arith.constant 0 : i32
    %dma_start3A_236 = arith.constant 0 : i32
    %dma_start3A_237 = tpu.memref_slice %arg3[%add3A_58, %dma_start3A_234, %dma_start3A_235, %dma_start3A_236] : memref<1024x128x4x128xf32, #tpu.memory_space<hbm>> -> memref<1x128x4x128xf32, #tpu.memory_space<hbm>>
    %dma_start3A_238 = arith.constant 0 : i32
    %dma_start3A_239 = arith.constant 0 : i32
    %dma_start3A_240 = arith.constant 0 : i32
    %dma_start3A_241 = tpu.memref_slice %arg2[%add3A_56, %dma_start3A_238, %dma_start3A_239, %dma_start3A_240] : memref<2048x128x4x128xf32, #tpu.memory_space<hbm>> -> memref<1x128x4x128xf32, #tpu.memory_space<hbm>>
    tpu.enqueue_dma source(%dma_start3A_241 : memref<1x128x4x128xf32, #tpu.memory_space<hbm>>) target(%dma_start3A_237 : memref<1x128x4x128xf32, #tpu.memory_space<hbm>>) target_semaphore(%arg4 : memref<!tpu.dma_semaphore, #tpu.memory_space<semaphore_mem>>)
    %dma_start3A_242 = arith.constant 0 : i32
    %dma_start3A_243 = arith.constant 0 : i32
    %dma_start3A_244 = arith.constant 0 : i32
    %dma_start3A_245 = tpu.memref_slice %arg3[%add3A_62, %dma_start3A_242, %dma_start3A_243, %dma_start3A_244] : memref<1024x128x4x128xf32, #tpu.memory_space<hbm>> -> memref<1x128x4x128xf32, #tpu.memory_space<hbm>>
    %dma_start3A_246 = arith.constant 0 : i32
    %dma_start3A_247 = arith.constant 0 : i32
    %dma_start3A_248 = arith.constant 0 : i32
    %dma_start3A_249 = tpu.memref_slice %arg2[%add3A_60, %dma_start3A_246, %dma_start3A_247, %dma_start3A_248] : memref<2048x128x4x128xf32, #tpu.memory_space<hbm>> -> memref<1x128x4x128xf32, #tpu.memory_space<hbm>>
    tpu.enqueue_dma source(%dma_start3A_249 : memref<1x128x4x128xf32, #tpu.memory_space<hbm>>) target(%dma_start3A_245 : memref<1x128x4x128xf32, #tpu.memory_space<hbm>>) target_semaphore(%arg4 : memref<!tpu.dma_semaphore, #tpu.memory_space<semaphore_mem>>)
    %dma_start3A_250 = arith.constant 0 : i32
    %dma_start3A_251 = arith.constant 0 : i32
    %dma_start3A_252 = arith.constant 0 : i32
    %dma_start3A_253 = tpu.memref_slice %arg3[%add3A_66, %dma_start3A_250, %dma_start3A_251, %dma_start3A_252] : memref<1024x128x4x128xf32, #tpu.memory_space<hbm>> -> memref<1x128x4x128xf32, #tpu.memory_space<hbm>>
    %dma_start3A_254 = arith.constant 0 : i32
    %dma_start3A_255 = arith.constant 0 : i32
    %dma_start3A_256 = arith.constant 0 : i32
    %dma_start3A_257 = tpu.memref_slice %arg2[%add3A_64, %dma_start3A_254, %dma_start3A_255, %dma_start3A_256] : memref<2048x128x4x128xf32, #tpu.memory_space<hbm>> -> memref<1x128x4x128xf32, #tpu.memory_space<hbm>>
    tpu.enqueue_dma source(%dma_start3A_257 : memref<1x128x4x128xf32, #tpu.memory_space<hbm>>) target(%dma_start3A_253 : memref<1x128x4x128xf32, #tpu.memory_space<hbm>>) target_semaphore(%arg4 : memref<!tpu.dma_semaphore, #tpu.memory_space<semaphore_mem>>)
    %dma_start3A_258 = arith.constant 0 : i32
    %dma_start3A_259 = arith.constant 0 : i32
    %dma_start3A_260 = arith.constant 0 : i32
    %dma_start3A_261 = tpu.memref_slice %arg3[%add3A_70, %dma_start3A_258, %dma_start3A_259, %dma_start3A_260] : memref<1024x128x4x128xf32, #tpu.memory_space<hbm>> -> memref<1x128x4x128xf32, #tpu.memory_space<hbm>>
    %dma_start3A_262 = arith.constant 0 : i32
    %dma_start3A_263 = arith.constant 0 : i32
    %dma_start3A_264 = arith.constant 0 : i32
    %dma_start3A_265 = tpu.memref_slice %arg2[%add3A_68, %dma_start3A_262, %dma_start3A_263, %dma_start3A_264] : memref<2048x128x4x128xf32, #tpu.memory_space<hbm>> -> memref<1x128x4x128xf32, #tpu.memory_space<hbm>>
    tpu.enqueue_dma source(%dma_start3A_265 : memref<1x128x4x128xf32, #tpu.memory_space<hbm>>) target(%dma_start3A_261 : memref<1x128x4x128xf32, #tpu.memory_space<hbm>>) target_semaphore(%arg4 : memref<!tpu.dma_semaphore, #tpu.memory_space<semaphore_mem>>)
    %dma_start3A_266 = arith.constant 0 : i32
    %dma_start3A_267 = arith.constant 0 : i32
    %dma_start3A_268 = arith.constant 0 : i32
    %dma_start3A_269 = tpu.memref_slice %arg3[%add3A_74, %dma_start3A_266, %dma_start3A_267, %dma_start3A_268] : memref<1024x128x4x128xf32, #tpu.memory_space<hbm>> -> memref<1x128x4x128xf32, #tpu.memory_space<hbm>>
    %dma_start3A_270 = arith.constant 0 : i32
    %dma_start3A_271 = arith.constant 0 : i32
    %dma_start3A_272 = arith.constant 0 : i32
    %dma_start3A_273 = tpu.memref_slice %arg2[%add3A_72, %dma_start3A_270, %dma_start3A_271, %dma_start3A_272] : memref<2048x128x4x128xf32, #tpu.memory_space<hbm>> -> memref<1x128x4x128xf32, #tpu.memory_space<hbm>>
    tpu.enqueue_dma source(%dma_start3A_273 : memref<1x128x4x128xf32, #tpu.memory_space<hbm>>) target(%dma_start3A_269 : memref<1x128x4x128xf32, #tpu.memory_space<hbm>>) target_semaphore(%arg4 : memref<!tpu.dma_semaphore, #tpu.memory_space<semaphore_mem>>)
    %dma_start3A_274 = arith.constant 0 : i32
    %dma_start3A_275 = arith.constant 0 : i32
    %dma_start3A_276 = arith.constant 0 : i32
    %dma_start3A_277 = tpu.memref_slice %arg3[%add3A_78, %dma_start3A_274, %dma_start3A_275, %dma_start3A_276] : memref<1024x128x4x128xf32, #tpu.memory_space<hbm>> -> memref<1x128x4x128xf32, #tpu.memory_space<hbm>>
    %dma_start3A_278 = arith.constant 0 : i32
    %dma_start3A_279 = arith.constant 0 : i32
    %dma_start3A_280 = arith.constant 0 : i32
    %dma_start3A_281 = tpu.memref_slice %arg2[%add3A_76, %dma_start3A_278, %dma_start3A_279, %dma_start3A_280] : memref<2048x128x4x128xf32, #tpu.memory_space<hbm>> -> memref<1x128x4x128xf32, #tpu.memory_space<hbm>>
    tpu.enqueue_dma source(%dma_start3A_281 : memref<1x128x4x128xf32, #tpu.memory_space<hbm>>) target(%dma_start3A_277 : memref<1x128x4x128xf32, #tpu.memory_space<hbm>>) target_semaphore(%arg4 : memref<!tpu.dma_semaphore, #tpu.memory_space<semaphore_mem>>)
    %dma_start3A_282 = arith.constant 0 : i32
    %dma_start3A_283 = arith.constant 0 : i32
    %dma_start3A_284 = arith.constant 0 : i32
    %dma_start3A_285 = tpu.memref_slice %arg3[%add3A_82, %dma_start3A_282, %dma_start3A_283, %dma_start3A_284] : memref<1024x128x4x128xf32, #tpu.memory_space<hbm>> -> memref<1x128x4x128xf32, #tpu.memory_space<hbm>>
    %dma_start3A_286 = arith.constant 0 : i32
    %dma_start3A_287 = arith.constant 0 : i32
    %dma_start3A_288 = arith.constant 0 : i32
    %dma_start3A_289 = tpu.memref_slice %arg2[%add3A_80, %dma_start3A_286, %dma_start3A_287, %dma_start3A_288] : memref<2048x128x4x128xf32, #tpu.memory_space<hbm>> -> memref<1x128x4x128xf32, #tpu.memory_space<hbm>>
    tpu.enqueue_dma source(%dma_start3A_289 : memref<1x128x4x128xf32, #tpu.memory_space<hbm>>) target(%dma_start3A_285 : memref<1x128x4x128xf32, #tpu.memory_space<hbm>>) target_semaphore(%arg4 : memref<!tpu.dma_semaphore, #tpu.memory_space<semaphore_mem>>)
    %dma_start3A_290 = arith.constant 0 : i32
    %dma_start3A_291 = arith.constant 0 : i32
    %dma_start3A_292 = arith.constant 0 : i32
    %dma_start3A_293 = tpu.memref_slice %arg3[%add3A_86, %dma_start3A_290, %dma_start3A_291, %dma_start3A_292] : memref<1024x128x4x128xf32, #tpu.memory_space<hbm>> -> memref<1x128x4x128xf32, #tpu.memory_space<hbm>>
    %dma_start3A_294 = arith.constant 0 : i32
    %dma_start3A_295 = arith.constant 0 : i32
    %dma_start3A_296 = arith.constant 0 : i32
    %dma_start3A_297 = tpu.memref_slice %arg2[%add3A_84, %dma_start3A_294, %dma_start3A_295, %dma_start3A_296] : memref<2048x128x4x128xf32, #tpu.memory_space<hbm>> -> memref<1x128x4x128xf32, #tpu.memory_space<hbm>>
    tpu.enqueue_dma source(%dma_start3A_297 : memref<1x128x4x128xf32, #tpu.memory_space<hbm>>) target(%dma_start3A_293 : memref<1x128x4x128xf32, #tpu.memory_space<hbm>>) target_semaphore(%arg4 : memref<!tpu.dma_semaphore, #tpu.memory_space<semaphore_mem>>)
    %dma_start3A_298 = arith.constant 0 : i32
    %dma_start3A_299 = arith.constant 0 : i32
    %dma_start3A_300 = arith.constant 0 : i32
    %dma_start3A_301 = tpu.memref_slice %arg3[%add3A_90, %dma_start3A_298, %dma_start3A_299, %dma_start3A_300] : memref<1024x128x4x128xf32, #tpu.memory_space<hbm>> -> memref<1x128x4x128xf32, #tpu.memory_space<hbm>>
    %dma_start3A_302 = arith.constant 0 : i32
    %dma_start3A_303 = arith.constant 0 : i32
    %dma_start3A_304 = arith.constant 0 : i32
    %dma_start3A_305 = tpu.memref_slice %arg2[%add3A_88, %dma_start3A_302, %dma_start3A_303, %dma_start3A_304] : memref<2048x128x4x128xf32, #tpu.memory_space<hbm>> -> memref<1x128x4x128xf32, #tpu.memory_space<hbm>>
    tpu.enqueue_dma source(%dma_start3A_305 : memref<1x128x4x128xf32, #tpu.memory_space<hbm>>) target(%dma_start3A_301 : memref<1x128x4x128xf32, #tpu.memory_space<hbm>>) target_semaphore(%arg4 : memref<!tpu.dma_semaphore, #tpu.memory_space<semaphore_mem>>)
    %dma_start3A_306 = arith.constant 0 : i32
    %dma_start3A_307 = arith.constant 0 : i32
    %dma_start3A_308 = arith.constant 0 : i32
    %dma_start3A_309 = tpu.memref_slice %arg3[%add3A_94, %dma_start3A_306, %dma_start3A_307, %dma_start3A_308] : memref<1024x128x4x128xf32, #tpu.memory_space<hbm>> -> memref<1x128x4x128xf32, #tpu.memory_space<hbm>>
    %dma_start3A_310 = arith.constant 0 : i32
    %dma_start3A_311 = arith.constant 0 : i32
    %dma_start3A_312 = arith.constant 0 : i32
    %dma_start3A_313 = tpu.memref_slice %arg2[%add3A_92, %dma_start3A_310, %dma_start3A_311, %dma_start3A_312] : memref<2048x128x4x128xf32, #tpu.memory_space<hbm>> -> memref<1x128x4x128xf32, #tpu.memory_space<hbm>>
    tpu.enqueue_dma source(%dma_start3A_313 : memref<1x128x4x128xf32, #tpu.memory_space<hbm>>) target(%dma_start3A_309 : memref<1x128x4x128xf32, #tpu.memory_space<hbm>>) target_semaphore(%arg4 : memref<!tpu.dma_semaphore, #tpu.memory_space<semaphore_mem>>)
    %dma_start3A_314 = arith.constant 0 : i32
    %dma_start3A_315 = arith.constant 0 : i32
    %dma_start3A_316 = arith.constant 0 : i32
    %dma_start3A_317 = tpu.memref_slice %arg3[%add3A_98, %dma_start3A_314, %dma_start3A_315, %dma_start3A_316] : memref<1024x128x4x128xf32, #tpu.memory_space<hbm>> -> memref<1x128x4x128xf32, #tpu.memory_space<hbm>>
    %dma_start3A_318 = arith.constant 0 : i32
    %dma_start3A_319 = arith.constant 0 : i32
    %dma_start3A_320 = arith.constant 0 : i32
    %dma_start3A_321 = tpu.memref_slice %arg2[%add3A_96, %dma_start3A_318, %dma_start3A_319, %dma_start3A_320] : memref<2048x128x4x128xf32, #tpu.memory_space<hbm>> -> memref<1x128x4x128xf32, #tpu.memory_space<hbm>>
    tpu.enqueue_dma source(%dma_start3A_321 : memref<1x128x4x128xf32, #tpu.memory_space<hbm>>) target(%dma_start3A_317 : memref<1x128x4x128xf32, #tpu.memory_space<hbm>>) target_semaphore(%arg4 : memref<!tpu.dma_semaphore, #tpu.memory_space<semaphore_mem>>)
    %dma_start3A_322 = arith.constant 0 : i32
    %dma_start3A_323 = arith.constant 0 : i32
    %dma_start3A_324 = arith.constant 0 : i32
    %dma_start3A_325 = tpu.memref_slice %arg3[%add3A_102, %dma_start3A_322, %dma_start3A_323, %dma_start3A_324] : memref<1024x128x4x128xf32, #tpu.memory_space<hbm>> -> memref<1x128x4x128xf32, #tpu.memory_space<hbm>>
    %dma_start3A_326 = arith.constant 0 : i32
    %dma_start3A_327 = arith.constant 0 : i32
    %dma_start3A_328 = arith.constant 0 : i32
    %dma_start3A_329 = tpu.memref_slice %arg2[%add3A_100, %dma_start3A_326, %dma_start3A_327, %dma_start3A_328] : memref<2048x128x4x128xf32, #tpu.memory_space<hbm>> -> memref<1x128x4x128xf32, #tpu.memory_space<hbm>>
    tpu.enqueue_dma source(%dma_start3A_329 : memref<1x128x4x128xf32, #tpu.memory_space<hbm>>) target(%dma_start3A_325 : memref<1x128x4x128xf32, #tpu.memory_space<hbm>>) target_semaphore(%arg4 : memref<!tpu.dma_semaphore, #tpu.memory_space<semaphore_mem>>)
    %dma_start3A_330 = arith.constant 0 : i32
    %dma_start3A_331 = arith.constant 0 : i32
    %dma_start3A_332 = arith.constant 0 : i32
    %dma_start3A_333 = tpu.memref_slice %arg3[%add3A_106, %dma_start3A_330, %dma_start3A_331, %dma_start3A_332] : memref<1024x128x4x128xf32, #tpu.memory_space<hbm>> -> memref<1x128x4x128xf32, #tpu.memory_space<hbm>>
    %dma_start3A_334 = arith.constant 0 : i32
    %dma_start3A_335 = arith.constant 0 : i32
    %dma_start3A_336 = arith.constant 0 : i32
    %dma_start3A_337 = tpu.memref_slice %arg2[%add3A_104, %dma_start3A_334, %dma_start3A_335, %dma_start3A_336] : memref<2048x128x4x128xf32, #tpu.memory_space<hbm>> -> memref<1x128x4x128xf32, #tpu.memory_space<hbm>>
    tpu.enqueue_dma source(%dma_start3A_337 : memref<1x128x4x128xf32, #tpu.memory_space<hbm>>) target(%dma_start3A_333 : memref<1x128x4x128xf32, #tpu.memory_space<hbm>>) target_semaphore(%arg4 : memref<!tpu.dma_semaphore, #tpu.memory_space<semaphore_mem>>)
    %dma_start3A_338 = arith.constant 0 : i32
    %dma_start3A_339 = arith.constant 0 : i32
    %dma_start3A_340 = arith.constant 0 : i32
    %dma_start3A_341 = tpu.memref_slice %arg3[%add3A_110, %dma_start3A_338, %dma_start3A_339, %dma_start3A_340] : memref<1024x128x4x128xf32, #tpu.memory_space<hbm>> -> memref<1x128x4x128xf32, #tpu.memory_space<hbm>>
    %dma_start3A_342 = arith.constant 0 : i32
    %dma_start3A_343 = arith.constant 0 : i32
    %dma_start3A_344 = arith.constant 0 : i32
    %dma_start3A_345 = tpu.memref_slice %arg2[%add3A_108, %dma_start3A_342, %dma_start3A_343, %dma_start3A_344] : memref<2048x128x4x128xf32, #tpu.memory_space<hbm>> -> memref<1x128x4x128xf32, #tpu.memory_space<hbm>>
    tpu.enqueue_dma source(%dma_start3A_345 : memref<1x128x4x128xf32, #tpu.memory_space<hbm>>) target(%dma_start3A_341 : memref<1x128x4x128xf32, #tpu.memory_space<hbm>>) target_semaphore(%arg4 : memref<!tpu.dma_semaphore, #tpu.memory_space<semaphore_mem>>)
    %dma_start3A_346 = arith.constant 0 : i32
    %dma_start3A_347 = arith.constant 0 : i32
    %dma_start3A_348 = arith.constant 0 : i32
    %dma_start3A_349 = tpu.memref_slice %arg3[%add3A_114, %dma_start3A_346, %dma_start3A_347, %dma_start3A_348] : memref<1024x128x4x128xf32, #tpu.memory_space<hbm>> -> memref<1x128x4x128xf32, #tpu.memory_space<hbm>>
    %dma_start3A_350 = arith.constant 0 : i32
    %dma_start3A_351 = arith.constant 0 : i32
    %dma_start3A_352 = arith.constant 0 : i32
    %dma_start3A_353 = tpu.memref_slice %arg2[%add3A_112, %dma_start3A_350, %dma_start3A_351, %dma_start3A_352] : memref<2048x128x4x128xf32, #tpu.memory_space<hbm>> -> memref<1x128x4x128xf32, #tpu.memory_space<hbm>>
    tpu.enqueue_dma source(%dma_start3A_353 : memref<1x128x4x128xf32, #tpu.memory_space<hbm>>) target(%dma_start3A_349 : memref<1x128x4x128xf32, #tpu.memory_space<hbm>>) target_semaphore(%arg4 : memref<!tpu.dma_semaphore, #tpu.memory_space<semaphore_mem>>)
    %dma_start3A_354 = arith.constant 0 : i32
    %dma_start3A_355 = arith.constant 0 : i32
    %dma_start3A_356 = arith.constant 0 : i32
    %dma_start3A_357 = tpu.memref_slice %arg3[%add3A_118, %dma_start3A_354, %dma_start3A_355, %dma_start3A_356] : memref<1024x128x4x128xf32, #tpu.memory_space<hbm>> -> memref<1x128x4x128xf32, #tpu.memory_space<hbm>>
    %dma_start3A_358 = arith.constant 0 : i32
    %dma_start3A_359 = arith.constant 0 : i32
    %dma_start3A_360 = arith.constant 0 : i32
    %dma_start3A_361 = tpu.memref_slice %arg2[%add3A_116, %dma_start3A_358, %dma_start3A_359, %dma_start3A_360] : memref<2048x128x4x128xf32, #tpu.memory_space<hbm>> -> memref<1x128x4x128xf32, #tpu.memory_space<hbm>>
    tpu.enqueue_dma source(%dma_start3A_361 : memref<1x128x4x128xf32, #tpu.memory_space<hbm>>) target(%dma_start3A_357 : memref<1x128x4x128xf32, #tpu.memory_space<hbm>>) target_semaphore(%arg4 : memref<!tpu.dma_semaphore, #tpu.memory_space<semaphore_mem>>)
    %dma_start3A_362 = arith.constant 0 : i32
    %dma_start3A_363 = arith.constant 0 : i32
    %dma_start3A_364 = arith.constant 0 : i32
    %dma_start3A_365 = tpu.memref_slice %arg3[%add3A_122, %dma_start3A_362, %dma_start3A_363, %dma_start3A_364] : memref<1024x128x4x128xf32, #tpu.memory_space<hbm>> -> memref<1x128x4x128xf32, #tpu.memory_space<hbm>>
    %dma_start3A_366 = arith.constant 0 : i32
    %dma_start3A_367 = arith.constant 0 : i32
    %dma_start3A_368 = arith.constant 0 : i32
    %dma_start3A_369 = tpu.memref_slice %arg2[%add3A_120, %dma_start3A_366, %dma_start3A_367, %dma_start3A_368] : memref<2048x128x4x128xf32, #tpu.memory_space<hbm>> -> memref<1x128x4x128xf32, #tpu.memory_space<hbm>>
    tpu.enqueue_dma source(%dma_start3A_369 : memref<1x128x4x128xf32, #tpu.memory_space<hbm>>) target(%dma_start3A_365 : memref<1x128x4x128xf32, #tpu.memory_space<hbm>>) target_semaphore(%arg4 : memref<!tpu.dma_semaphore, #tpu.memory_space<semaphore_mem>>)
    %dma_start3A_370 = arith.constant 0 : i32
    %dma_start3A_371 = arith.constant 0 : i32
    %dma_start3A_372 = arith.constant 0 : i32
    %dma_start3A_373 = tpu.memref_slice %arg3[%add3A_126, %dma_start3A_370, %dma_start3A_371, %dma_start3A_372] : memref<1024x128x4x128xf32, #tpu.memory_space<hbm>> -> memref<1x128x4x128xf32, #tpu.memory_space<hbm>>
    %dma_start3A_374 = arith.constant 0 : i32
    %dma_start3A_375 = arith.constant 0 : i32
    %dma_start3A_376 = arith.constant 0 : i32
    %dma_start3A_377 = tpu.memref_slice %arg2[%add3A_124, %dma_start3A_374, %dma_start3A_375, %dma_start3A_376] : memref<2048x128x4x128xf32, #tpu.memory_space<hbm>> -> memref<1x128x4x128xf32, #tpu.memory_space<hbm>>
    tpu.enqueue_dma source(%dma_start3A_377 : memref<1x128x4x128xf32, #tpu.memory_space<hbm>>) target(%dma_start3A_373 : memref<1x128x4x128xf32, #tpu.memory_space<hbm>>) target_semaphore(%arg4 : memref<!tpu.dma_semaphore, #tpu.memory_space<semaphore_mem>>)
    %dma_start3A_378 = arith.constant 0 : i32
    %dma_start3A_379 = arith.constant 0 : i32
    %dma_start3A_380 = arith.constant 0 : i32
    %dma_start3A_381 = tpu.memref_slice %arg3[%add3A_130, %dma_start3A_378, %dma_start3A_379, %dma_start3A_380] : memref<1024x128x4x128xf32, #tpu.memory_space<hbm>> -> memref<1x128x4x128xf32, #tpu.memory_space<hbm>>
    %dma_start3A_382 = arith.constant 0 : i32
    %dma_start3A_383 = arith.constant 0 : i32
    %dma_start3A_384 = arith.constant 0 : i32
    %dma_start3A_385 = tpu.memref_slice %arg2[%add3A_128, %dma_start3A_382, %dma_start3A_383, %dma_start3A_384] : memref<2048x128x4x128xf32, #tpu.memory_space<hbm>> -> memref<1x128x4x128xf32, #tpu.memory_space<hbm>>
    tpu.enqueue_dma source(%dma_start3A_385 : memref<1x128x4x128xf32, #tpu.memory_space<hbm>>) target(%dma_start3A_381 : memref<1x128x4x128xf32, #tpu.memory_space<hbm>>) target_semaphore(%arg4 : memref<!tpu.dma_semaphore, #tpu.memory_space<semaphore_mem>>)
    %dma_wait3A = arith.constant 0 : i32
    %dma_wait3A_386 = arith.constant 0 : i32
    %dma_wait3A_387 = arith.constant 0 : i32
    %dma_wait3A_388 = tpu.memref_slice %arg3[%add3A_6, %dma_wait3A, %dma_wait3A_386, %dma_wait3A_387] : memref<1024x128x4x128xf32, #tpu.memory_space<hbm>> -> memref<1x128x4x128xf32, #tpu.memory_space<hbm>>
    %dma_wait3A_389 = arith.constant 0 : i32
    %dma_wait3A_390 = arith.constant 0 : i32
    %dma_wait3A_391 = arith.constant 0 : i32
    %dma_wait3A_392 = tpu.memref_slice %arg2[%add3A_4, %dma_wait3A_389, %dma_wait3A_390, %dma_wait3A_391] : memref<2048x128x4x128xf32, #tpu.memory_space<hbm>> -> memref<1x128x4x128xf32, #tpu.memory_space<hbm>>
    tpu.wait_dma2 semaphore(%arg4 : memref<!tpu.dma_semaphore, #tpu.memory_space<semaphore_mem>>) src(%dma_wait3A_392 : memref<1x128x4x128xf32, #tpu.memory_space<hbm>>) dst(%dma_wait3A_388 : memref<1x128x4x128xf32, #tpu.memory_space<hbm>>)
    %dma_wait3A_393 = arith.constant 0 : i32
    %dma_wait3A_394 = arith.constant 0 : i32
    %dma_wait3A_395 = arith.constant 0 : i32
    %dma_wait3A_396 = tpu.memref_slice %arg3[%add3A_10, %dma_wait3A_393, %dma_wait3A_394, %dma_wait3A_395] : memref<1024x128x4x128xf32, #tpu.memory_space<hbm>> -> memref<1x128x4x128xf32, #tpu.memory_space<hbm>>
    %dma_wait3A_397 = arith.constant 0 : i32
    %dma_wait3A_398 = arith.constant 0 : i32
    %dma_wait3A_399 = arith.constant 0 : i32
    %dma_wait3A_400 = tpu.memref_slice %arg2[%add3A_8, %dma_wait3A_397, %dma_wait3A_398, %dma_wait3A_399] : memref<2048x128x4x128xf32, #tpu.memory_space<hbm>> -> memref<1x128x4x128xf32, #tpu.memory_space<hbm>>
    tpu.wait_dma2 semaphore(%arg4 : memref<!tpu.dma_semaphore, #tpu.memory_space<semaphore_mem>>) src(%dma_wait3A_400 : memref<1x128x4x128xf32, #tpu.memory_space<hbm>>) dst(%dma_wait3A_396 : memref<1x128x4x128xf32, #tpu.memory_space<hbm>>)
    %dma_wait3A_401 = arith.constant 0 : i32
    %dma_wait3A_402 = arith.constant 0 : i32
    %dma_wait3A_403 = arith.constant 0 : i32
    %dma_wait3A_404 = tpu.memref_slice %arg3[%add3A_14, %dma_wait3A_401, %dma_wait3A_402, %dma_wait3A_403] : memref<1024x128x4x128xf32, #tpu.memory_space<hbm>> -> memref<1x128x4x128xf32, #tpu.memory_space<hbm>>
    %dma_wait3A_405 = arith.constant 0 : i32
    %dma_wait3A_406 = arith.constant 0 : i32
    %dma_wait3A_407 = arith.constant 0 : i32
    %dma_wait3A_408 = tpu.memref_slice %arg2[%add3A_12, %dma_wait3A_405, %dma_wait3A_406, %dma_wait3A_407] : memref<2048x128x4x128xf32, #tpu.memory_space<hbm>> -> memref<1x128x4x128xf32, #tpu.memory_space<hbm>>
    tpu.wait_dma2 semaphore(%arg4 : memref<!tpu.dma_semaphore, #tpu.memory_space<semaphore_mem>>) src(%dma_wait3A_408 : memref<1x128x4x128xf32, #tpu.memory_space<hbm>>) dst(%dma_wait3A_404 : memref<1x128x4x128xf32, #tpu.memory_space<hbm>>)
    %dma_wait3A_409 = arith.constant 0 : i32
    %dma_wait3A_410 = arith.constant 0 : i32
    %dma_wait3A_411 = arith.constant 0 : i32
    %dma_wait3A_412 = tpu.memref_slice %arg3[%add3A_18, %dma_wait3A_409, %dma_wait3A_410, %dma_wait3A_411] : memref<1024x128x4x128xf32, #tpu.memory_space<hbm>> -> memref<1x128x4x128xf32, #tpu.memory_space<hbm>>
    %dma_wait3A_413 = arith.constant 0 : i32
    %dma_wait3A_414 = arith.constant 0 : i32
    %dma_wait3A_415 = arith.constant 0 : i32
    %dma_wait3A_416 = tpu.memref_slice %arg2[%add3A_16, %dma_wait3A_413, %dma_wait3A_414, %dma_wait3A_415] : memref<2048x128x4x128xf32, #tpu.memory_space<hbm>> -> memref<1x128x4x128xf32, #tpu.memory_space<hbm>>
    tpu.wait_dma2 semaphore(%arg4 : memref<!tpu.dma_semaphore, #tpu.memory_space<semaphore_mem>>) src(%dma_wait3A_416 : memref<1x128x4x128xf32, #tpu.memory_space<hbm>>) dst(%dma_wait3A_412 : memref<1x128x4x128xf32, #tpu.memory_space<hbm>>)
    %dma_wait3A_417 = arith.constant 0 : i32
    %dma_wait3A_418 = arith.constant 0 : i32
    %dma_wait3A_419 = arith.constant 0 : i32
    %dma_wait3A_420 = tpu.memref_slice %arg3[%add3A_22, %dma_wait3A_417, %dma_wait3A_418, %dma_wait3A_419] : memref<1024x128x4x128xf32, #tpu.memory_space<hbm>> -> memref<1x128x4x128xf32, #tpu.memory_space<hbm>>
    %dma_wait3A_421 = arith.constant 0 : i32
    %dma_wait3A_422 = arith.constant 0 : i32
    %dma_wait3A_423 = arith.constant 0 : i32
    %dma_wait3A_424 = tpu.memref_slice %arg2[%add3A_20, %dma_wait3A_421, %dma_wait3A_422, %dma_wait3A_423] : memref<2048x128x4x128xf32, #tpu.memory_space<hbm>> -> memref<1x128x4x128xf32, #tpu.memory_space<hbm>>
    tpu.wait_dma2 semaphore(%arg4 : memref<!tpu.dma_semaphore, #tpu.memory_space<semaphore_mem>>) src(%dma_wait3A_424 : memref<1x128x4x128xf32, #tpu.memory_space<hbm>>) dst(%dma_wait3A_420 : memref<1x128x4x128xf32, #tpu.memory_space<hbm>>)
    %dma_wait3A_425 = arith.constant 0 : i32
    %dma_wait3A_426 = arith.constant 0 : i32
    %dma_wait3A_427 = arith.constant 0 : i32
    %dma_wait3A_428 = tpu.memref_slice %arg3[%add3A_26, %dma_wait3A_425, %dma_wait3A_426, %dma_wait3A_427] : memref<1024x128x4x128xf32, #tpu.memory_space<hbm>> -> memref<1x128x4x128xf32, #tpu.memory_space<hbm>>
    %dma_wait3A_429 = arith.constant 0 : i32
    %dma_wait3A_430 = arith.constant 0 : i32
    %dma_wait3A_431 = arith.constant 0 : i32
    %dma_wait3A_432 = tpu.memref_slice %arg2[%add3A_24, %dma_wait3A_429, %dma_wait3A_430, %dma_wait3A_431] : memref<2048x128x4x128xf32, #tpu.memory_space<hbm>> -> memref<1x128x4x128xf32, #tpu.memory_space<hbm>>
    tpu.wait_dma2 semaphore(%arg4 : memref<!tpu.dma_semaphore, #tpu.memory_space<semaphore_mem>>) src(%dma_wait3A_432 : memref<1x128x4x128xf32, #tpu.memory_space<hbm>>) dst(%dma_wait3A_428 : memref<1x128x4x128xf32, #tpu.memory_space<hbm>>)
    %dma_wait3A_433 = arith.constant 0 : i32
    %dma_wait3A_434 = arith.constant 0 : i32
    %dma_wait3A_435 = arith.constant 0 : i32
    %dma_wait3A_436 = tpu.memref_slice %arg3[%add3A_30, %dma_wait3A_433, %dma_wait3A_434, %dma_wait3A_435] : memref<1024x128x4x128xf32, #tpu.memory_space<hbm>> -> memref<1x128x4x128xf32, #tpu.memory_space<hbm>>
    %dma_wait3A_437 = arith.constant 0 : i32
    %dma_wait3A_438 = arith.constant 0 : i32
    %dma_wait3A_439 = arith.constant 0 : i32
    %dma_wait3A_440 = tpu.memref_slice %arg2[%add3A_28, %dma_wait3A_437, %dma_wait3A_438, %dma_wait3A_439] : memref<2048x128x4x128xf32, #tpu.memory_space<hbm>> -> memref<1x128x4x128xf32, #tpu.memory_space<hbm>>
    tpu.wait_dma2 semaphore(%arg4 : memref<!tpu.dma_semaphore, #tpu.memory_space<semaphore_mem>>) src(%dma_wait3A_440 : memref<1x128x4x128xf32, #tpu.memory_space<hbm>>) dst(%dma_wait3A_436 : memref<1x128x4x128xf32, #tpu.memory_space<hbm>>)
    %dma_wait3A_441 = arith.constant 0 : i32
    %dma_wait3A_442 = arith.constant 0 : i32
    %dma_wait3A_443 = arith.constant 0 : i32
    %dma_wait3A_444 = tpu.memref_slice %arg3[%add3A_34, %dma_wait3A_441, %dma_wait3A_442, %dma_wait3A_443] : memref<1024x128x4x128xf32, #tpu.memory_space<hbm>> -> memref<1x128x4x128xf32, #tpu.memory_space<hbm>>
    %dma_wait3A_445 = arith.constant 0 : i32
    %dma_wait3A_446 = arith.constant 0 : i32
    %dma_wait3A_447 = arith.constant 0 : i32
    %dma_wait3A_448 = tpu.memref_slice %arg2[%add3A_32, %dma_wait3A_445, %dma_wait3A_446, %dma_wait3A_447] : memref<2048x128x4x128xf32, #tpu.memory_space<hbm>> -> memref<1x128x4x128xf32, #tpu.memory_space<hbm>>
    tpu.wait_dma2 semaphore(%arg4 : memref<!tpu.dma_semaphore, #tpu.memory_space<semaphore_mem>>) src(%dma_wait3A_448 : memref<1x128x4x128xf32, #tpu.memory_space<hbm>>) dst(%dma_wait3A_444 : memref<1x128x4x128xf32, #tpu.memory_space<hbm>>)
    %dma_wait3A_449 = arith.constant 0 : i32
    %dma_wait3A_450 = arith.constant 0 : i32
    %dma_wait3A_451 = arith.constant 0 : i32
    %dma_wait3A_452 = tpu.memref_slice %arg3[%add3A_38, %dma_wait3A_449, %dma_wait3A_450, %dma_wait3A_451] : memref<1024x128x4x128xf32, #tpu.memory_space<hbm>> -> memref<1x128x4x128xf32, #tpu.memory_space<hbm>>
    %dma_wait3A_453 = arith.constant 0 : i32
    %dma_wait3A_454 = arith.constant 0 : i32
    %dma_wait3A_455 = arith.constant 0 : i32
    %dma_wait3A_456 = tpu.memref_slice %arg2[%add3A_36, %dma_wait3A_453, %dma_wait3A_454, %dma_wait3A_455] : memref<2048x128x4x128xf32, #tpu.memory_space<hbm>> -> memref<1x128x4x128xf32, #tpu.memory_space<hbm>>
    tpu.wait_dma2 semaphore(%arg4 : memref<!tpu.dma_semaphore, #tpu.memory_space<semaphore_mem>>) src(%dma_wait3A_456 : memref<1x128x4x128xf32, #tpu.memory_space<hbm>>) dst(%dma_wait3A_452 : memref<1x128x4x128xf32, #tpu.memory_space<hbm>>)
    %dma_wait3A_457 = arith.constant 0 : i32
    %dma_wait3A_458 = arith.constant 0 : i32
    %dma_wait3A_459 = arith.constant 0 : i32
    %dma_wait3A_460 = tpu.memref_slice %arg3[%add3A_42, %dma_wait3A_457, %dma_wait3A_458, %dma_wait3A_459] : memref<1024x128x4x128xf32, #tpu.memory_space<hbm>> -> memref<1x128x4x128xf32, #tpu.memory_space<hbm>>
    %dma_wait3A_461 = arith.constant 0 : i32
    %dma_wait3A_462 = arith.constant 0 : i32
    %dma_wait3A_463 = arith.constant 0 : i32
    %dma_wait3A_464 = tpu.memref_slice %arg2[%add3A_40, %dma_wait3A_461, %dma_wait3A_462, %dma_wait3A_463] : memref<2048x128x4x128xf32, #tpu.memory_space<hbm>> -> memref<1x128x4x128xf32, #tpu.memory_space<hbm>>
    tpu.wait_dma2 semaphore(%arg4 : memref<!tpu.dma_semaphore, #tpu.memory_space<semaphore_mem>>) src(%dma_wait3A_464 : memref<1x128x4x128xf32, #tpu.memory_space<hbm>>) dst(%dma_wait3A_460 : memref<1x128x4x128xf32, #tpu.memory_space<hbm>>)
    %dma_wait3A_465 = arith.constant 0 : i32
    %dma_wait3A_466 = arith.constant 0 : i32
    %dma_wait3A_467 = arith.constant 0 : i32
    %dma_wait3A_468 = tpu.memref_slice %arg3[%add3A_46, %dma_wait3A_465, %dma_wait3A_466, %dma_wait3A_467] : memref<1024x128x4x128xf32, #tpu.memory_space<hbm>> -> memref<1x128x4x128xf32, #tpu.memory_space<hbm>>
    %dma_wait3A_469 = arith.constant 0 : i32
    %dma_wait3A_470 = arith.constant 0 : i32
    %dma_wait3A_471 = arith.constant 0 : i32
    %dma_wait3A_472 = tpu.memref_slice %arg2[%add3A_44, %dma_wait3A_469, %dma_wait3A_470, %dma_wait3A_471] : memref<2048x128x4x128xf32, #tpu.memory_space<hbm>> -> memref<1x128x4x128xf32, #tpu.memory_space<hbm>>
    tpu.wait_dma2 semaphore(%arg4 : memref<!tpu.dma_semaphore, #tpu.memory_space<semaphore_mem>>) src(%dma_wait3A_472 : memref<1x128x4x128xf32, #tpu.memory_space<hbm>>) dst(%dma_wait3A_468 : memref<1x128x4x128xf32, #tpu.memory_space<hbm>>)
    %dma_wait3A_473 = arith.constant 0 : i32
    %dma_wait3A_474 = arith.constant 0 : i32
    %dma_wait3A_475 = arith.constant 0 : i32
    %dma_wait3A_476 = tpu.memref_slice %arg3[%add3A_50, %dma_wait3A_473, %dma_wait3A_474, %dma_wait3A_475] : memref<1024x128x4x128xf32, #tpu.memory_space<hbm>> -> memref<1x128x4x128xf32, #tpu.memory_space<hbm>>
    %dma_wait3A_477 = arith.constant 0 : i32
    %dma_wait3A_478 = arith.constant 0 : i32
    %dma_wait3A_479 = arith.constant 0 : i32
    %dma_wait3A_480 = tpu.memref_slice %arg2[%add3A_48, %dma_wait3A_477, %dma_wait3A_478, %dma_wait3A_479] : memref<2048x128x4x128xf32, #tpu.memory_space<hbm>> -> memref<1x128x4x128xf32, #tpu.memory_space<hbm>>
    tpu.wait_dma2 semaphore(%arg4 : memref<!tpu.dma_semaphore, #tpu.memory_space<semaphore_mem>>) src(%dma_wait3A_480 : memref<1x128x4x128xf32, #tpu.memory_space<hbm>>) dst(%dma_wait3A_476 : memref<1x128x4x128xf32, #tpu.memory_space<hbm>>)
    %dma_wait3A_481 = arith.constant 0 : i32
    %dma_wait3A_482 = arith.constant 0 : i32
    %dma_wait3A_483 = arith.constant 0 : i32
    %dma_wait3A_484 = tpu.memref_slice %arg3[%add3A_54, %dma_wait3A_481, %dma_wait3A_482, %dma_wait3A_483] : memref<1024x128x4x128xf32, #tpu.memory_space<hbm>> -> memref<1x128x4x128xf32, #tpu.memory_space<hbm>>
    %dma_wait3A_485 = arith.constant 0 : i32
    %dma_wait3A_486 = arith.constant 0 : i32
    %dma_wait3A_487 = arith.constant 0 : i32
    %dma_wait3A_488 = tpu.memref_slice %arg2[%add3A_52, %dma_wait3A_485, %dma_wait3A_486, %dma_wait3A_487] : memref<2048x128x4x128xf32, #tpu.memory_space<hbm>> -> memref<1x128x4x128xf32, #tpu.memory_space<hbm>>
    tpu.wait_dma2 semaphore(%arg4 : memref<!tpu.dma_semaphore, #tpu.memory_space<semaphore_mem>>) src(%dma_wait3A_488 : memref<1x128x4x128xf32, #tpu.memory_space<hbm>>) dst(%dma_wait3A_484 : memref<1x128x4x128xf32, #tpu.memory_space<hbm>>)
    %dma_wait3A_489 = arith.constant 0 : i32
    %dma_wait3A_490 = arith.constant 0 : i32
    %dma_wait3A_491 = arith.constant 0 : i32
    %dma_wait3A_492 = tpu.memref_slice %arg3[%add3A_58, %dma_wait3A_489, %dma_wait3A_490, %dma_wait3A_491] : memref<1024x128x4x128xf32, #tpu.memory_space<hbm>> -> memref<1x128x4x128xf32, #tpu.memory_space<hbm>>
    %dma_wait3A_493 = arith.constant 0 : i32
    %dma_wait3A_494 = arith.constant 0 : i32
    %dma_wait3A_495 = arith.constant 0 : i32
    %dma_wait3A_496 = tpu.memref_slice %arg2[%add3A_56, %dma_wait3A_493, %dma_wait3A_494, %dma_wait3A_495] : memref<2048x128x4x128xf32, #tpu.memory_space<hbm>> -> memref<1x128x4x128xf32, #tpu.memory_space<hbm>>
    tpu.wait_dma2 semaphore(%arg4 : memref<!tpu.dma_semaphore, #tpu.memory_space<semaphore_mem>>) src(%dma_wait3A_496 : memref<1x128x4x128xf32, #tpu.memory_space<hbm>>) dst(%dma_wait3A_492 : memref<1x128x4x128xf32, #tpu.memory_space<hbm>>)
    %dma_wait3A_497 = arith.constant 0 : i32
    %dma_wait3A_498 = arith.constant 0 : i32
    %dma_wait3A_499 = arith.constant 0 : i32
    %dma_wait3A_500 = tpu.memref_slice %arg3[%add3A_62, %dma_wait3A_497, %dma_wait3A_498, %dma_wait3A_499] : memref<1024x128x4x128xf32, #tpu.memory_space<hbm>> -> memref<1x128x4x128xf32, #tpu.memory_space<hbm>>
    %dma_wait3A_501 = arith.constant 0 : i32
    %dma_wait3A_502 = arith.constant 0 : i32
    %dma_wait3A_503 = arith.constant 0 : i32
    %dma_wait3A_504 = tpu.memref_slice %arg2[%add3A_60, %dma_wait3A_501, %dma_wait3A_502, %dma_wait3A_503] : memref<2048x128x4x128xf32, #tpu.memory_space<hbm>> -> memref<1x128x4x128xf32, #tpu.memory_space<hbm>>
    tpu.wait_dma2 semaphore(%arg4 : memref<!tpu.dma_semaphore, #tpu.memory_space<semaphore_mem>>) src(%dma_wait3A_504 : memref<1x128x4x128xf32, #tpu.memory_space<hbm>>) dst(%dma_wait3A_500 : memref<1x128x4x128xf32, #tpu.memory_space<hbm>>)
    %dma_wait3A_505 = arith.constant 0 : i32
    %dma_wait3A_506 = arith.constant 0 : i32
    %dma_wait3A_507 = arith.constant 0 : i32
    %dma_wait3A_508 = tpu.memref_slice %arg3[%add3A_66, %dma_wait3A_505, %dma_wait3A_506, %dma_wait3A_507] : memref<1024x128x4x128xf32, #tpu.memory_space<hbm>> -> memref<1x128x4x128xf32, #tpu.memory_space<hbm>>
    %dma_wait3A_509 = arith.constant 0 : i32
    %dma_wait3A_510 = arith.constant 0 : i32
    %dma_wait3A_511 = arith.constant 0 : i32
    %dma_wait3A_512 = tpu.memref_slice %arg2[%add3A_64, %dma_wait3A_509, %dma_wait3A_510, %dma_wait3A_511] : memref<2048x128x4x128xf32, #tpu.memory_space<hbm>> -> memref<1x128x4x128xf32, #tpu.memory_space<hbm>>
    tpu.wait_dma2 semaphore(%arg4 : memref<!tpu.dma_semaphore, #tpu.memory_space<semaphore_mem>>) src(%dma_wait3A_512 : memref<1x128x4x128xf32, #tpu.memory_space<hbm>>) dst(%dma_wait3A_508 : memref<1x128x4x128xf32, #tpu.memory_space<hbm>>)
    %dma_wait3A_513 = arith.constant 0 : i32
    %dma_wait3A_514 = arith.constant 0 : i32
    %dma_wait3A_515 = arith.constant 0 : i32
    %dma_wait3A_516 = tpu.memref_slice %arg3[%add3A_70, %dma_wait3A_513, %dma_wait3A_514, %dma_wait3A_515] : memref<1024x128x4x128xf32, #tpu.memory_space<hbm>> -> memref<1x128x4x128xf32, #tpu.memory_space<hbm>>
    %dma_wait3A_517 = arith.constant 0 : i32
    %dma_wait3A_518 = arith.constant 0 : i32
    %dma_wait3A_519 = arith.constant 0 : i32
    %dma_wait3A_520 = tpu.memref_slice %arg2[%add3A_68, %dma_wait3A_517, %dma_wait3A_518, %dma_wait3A_519] : memref<2048x128x4x128xf32, #tpu.memory_space<hbm>> -> memref<1x128x4x128xf32, #tpu.memory_space<hbm>>
    tpu.wait_dma2 semaphore(%arg4 : memref<!tpu.dma_semaphore, #tpu.memory_space<semaphore_mem>>) src(%dma_wait3A_520 : memref<1x128x4x128xf32, #tpu.memory_space<hbm>>) dst(%dma_wait3A_516 : memref<1x128x4x128xf32, #tpu.memory_space<hbm>>)
    %dma_wait3A_521 = arith.constant 0 : i32
    %dma_wait3A_522 = arith.constant 0 : i32
    %dma_wait3A_523 = arith.constant 0 : i32
    %dma_wait3A_524 = tpu.memref_slice %arg3[%add3A_74, %dma_wait3A_521, %dma_wait3A_522, %dma_wait3A_523] : memref<1024x128x4x128xf32, #tpu.memory_space<hbm>> -> memref<1x128x4x128xf32, #tpu.memory_space<hbm>>
    %dma_wait3A_525 = arith.constant 0 : i32
    %dma_wait3A_526 = arith.constant 0 : i32
    %dma_wait3A_527 = arith.constant 0 : i32
    %dma_wait3A_528 = tpu.memref_slice %arg2[%add3A_72, %dma_wait3A_525, %dma_wait3A_526, %dma_wait3A_527] : memref<2048x128x4x128xf32, #tpu.memory_space<hbm>> -> memref<1x128x4x128xf32, #tpu.memory_space<hbm>>
    tpu.wait_dma2 semaphore(%arg4 : memref<!tpu.dma_semaphore, #tpu.memory_space<semaphore_mem>>) src(%dma_wait3A_528 : memref<1x128x4x128xf32, #tpu.memory_space<hbm>>) dst(%dma_wait3A_524 : memref<1x128x4x128xf32, #tpu.memory_space<hbm>>)
    %dma_wait3A_529 = arith.constant 0 : i32
    %dma_wait3A_530 = arith.constant 0 : i32
    %dma_wait3A_531 = arith.constant 0 : i32
    %dma_wait3A_532 = tpu.memref_slice %arg3[%add3A_78, %dma_wait3A_529, %dma_wait3A_530, %dma_wait3A_531] : memref<1024x128x4x128xf32, #tpu.memory_space<hbm>> -> memref<1x128x4x128xf32, #tpu.memory_space<hbm>>
    %dma_wait3A_533 = arith.constant 0 : i32
    %dma_wait3A_534 = arith.constant 0 : i32
    %dma_wait3A_535 = arith.constant 0 : i32
    %dma_wait3A_536 = tpu.memref_slice %arg2[%add3A_76, %dma_wait3A_533, %dma_wait3A_534, %dma_wait3A_535] : memref<2048x128x4x128xf32, #tpu.memory_space<hbm>> -> memref<1x128x4x128xf32, #tpu.memory_space<hbm>>
    tpu.wait_dma2 semaphore(%arg4 : memref<!tpu.dma_semaphore, #tpu.memory_space<semaphore_mem>>) src(%dma_wait3A_536 : memref<1x128x4x128xf32, #tpu.memory_space<hbm>>) dst(%dma_wait3A_532 : memref<1x128x4x128xf32, #tpu.memory_space<hbm>>)
    %dma_wait3A_537 = arith.constant 0 : i32
    %dma_wait3A_538 = arith.constant 0 : i32
    %dma_wait3A_539 = arith.constant 0 : i32
    %dma_wait3A_540 = tpu.memref_slice %arg3[%add3A_82, %dma_wait3A_537, %dma_wait3A_538, %dma_wait3A_539] : memref<1024x128x4x128xf32, #tpu.memory_space<hbm>> -> memref<1x128x4x128xf32, #tpu.memory_space<hbm>>
    %dma_wait3A_541 = arith.constant 0 : i32
    %dma_wait3A_542 = arith.constant 0 : i32
    %dma_wait3A_543 = arith.constant 0 : i32
    %dma_wait3A_544 = tpu.memref_slice %arg2[%add3A_80, %dma_wait3A_541, %dma_wait3A_542, %dma_wait3A_543] : memref<2048x128x4x128xf32, #tpu.memory_space<hbm>> -> memref<1x128x4x128xf32, #tpu.memory_space<hbm>>
    tpu.wait_dma2 semaphore(%arg4 : memref<!tpu.dma_semaphore, #tpu.memory_space<semaphore_mem>>) src(%dma_wait3A_544 : memref<1x128x4x128xf32, #tpu.memory_space<hbm>>) dst(%dma_wait3A_540 : memref<1x128x4x128xf32, #tpu.memory_space<hbm>>)
    %dma_wait3A_545 = arith.constant 0 : i32
    %dma_wait3A_546 = arith.constant 0 : i32
    %dma_wait3A_547 = arith.constant 0 : i32
    %dma_wait3A_548 = tpu.memref_slice %arg3[%add3A_86, %dma_wait3A_545, %dma_wait3A_546, %dma_wait3A_547] : memref<1024x128x4x128xf32, #tpu.memory_space<hbm>> -> memref<1x128x4x128xf32, #tpu.memory_space<hbm>>
    %dma_wait3A_549 = arith.constant 0 : i32
    %dma_wait3A_550 = arith.constant 0 : i32
    %dma_wait3A_551 = arith.constant 0 : i32
    %dma_wait3A_552 = tpu.memref_slice %arg2[%add3A_84, %dma_wait3A_549, %dma_wait3A_550, %dma_wait3A_551] : memref<2048x128x4x128xf32, #tpu.memory_space<hbm>> -> memref<1x128x4x128xf32, #tpu.memory_space<hbm>>
    tpu.wait_dma2 semaphore(%arg4 : memref<!tpu.dma_semaphore, #tpu.memory_space<semaphore_mem>>) src(%dma_wait3A_552 : memref<1x128x4x128xf32, #tpu.memory_space<hbm>>) dst(%dma_wait3A_548 : memref<1x128x4x128xf32, #tpu.memory_space<hbm>>)
    %dma_wait3A_553 = arith.constant 0 : i32
    %dma_wait3A_554 = arith.constant 0 : i32
    %dma_wait3A_555 = arith.constant 0 : i32
    %dma_wait3A_556 = tpu.memref_slice %arg3[%add3A_90, %dma_wait3A_553, %dma_wait3A_554, %dma_wait3A_555] : memref<1024x128x4x128xf32, #tpu.memory_space<hbm>> -> memref<1x128x4x128xf32, #tpu.memory_space<hbm>>
    %dma_wait3A_557 = arith.constant 0 : i32
    %dma_wait3A_558 = arith.constant 0 : i32
    %dma_wait3A_559 = arith.constant 0 : i32
    %dma_wait3A_560 = tpu.memref_slice %arg2[%add3A_88, %dma_wait3A_557, %dma_wait3A_558, %dma_wait3A_559] : memref<2048x128x4x128xf32, #tpu.memory_space<hbm>> -> memref<1x128x4x128xf32, #tpu.memory_space<hbm>>
    tpu.wait_dma2 semaphore(%arg4 : memref<!tpu.dma_semaphore, #tpu.memory_space<semaphore_mem>>) src(%dma_wait3A_560 : memref<1x128x4x128xf32, #tpu.memory_space<hbm>>) dst(%dma_wait3A_556 : memref<1x128x4x128xf32, #tpu.memory_space<hbm>>)
    %dma_wait3A_561 = arith.constant 0 : i32
    %dma_wait3A_562 = arith.constant 0 : i32
    %dma_wait3A_563 = arith.constant 0 : i32
    %dma_wait3A_564 = tpu.memref_slice %arg3[%add3A_94, %dma_wait3A_561, %dma_wait3A_562, %dma_wait3A_563] : memref<1024x128x4x128xf32, #tpu.memory_space<hbm>> -> memref<1x128x4x128xf32, #tpu.memory_space<hbm>>
    %dma_wait3A_565 = arith.constant 0 : i32
    %dma_wait3A_566 = arith.constant 0 : i32
    %dma_wait3A_567 = arith.constant 0 : i32
    %dma_wait3A_568 = tpu.memref_slice %arg2[%add3A_92, %dma_wait3A_565, %dma_wait3A_566, %dma_wait3A_567] : memref<2048x128x4x128xf32, #tpu.memory_space<hbm>> -> memref<1x128x4x128xf32, #tpu.memory_space<hbm>>
    tpu.wait_dma2 semaphore(%arg4 : memref<!tpu.dma_semaphore, #tpu.memory_space<semaphore_mem>>) src(%dma_wait3A_568 : memref<1x128x4x128xf32, #tpu.memory_space<hbm>>) dst(%dma_wait3A_564 : memref<1x128x4x128xf32, #tpu.memory_space<hbm>>)
    %dma_wait3A_569 = arith.constant 0 : i32
    %dma_wait3A_570 = arith.constant 0 : i32
    %dma_wait3A_571 = arith.constant 0 : i32
    %dma_wait3A_572 = tpu.memref_slice %arg3[%add3A_98, %dma_wait3A_569, %dma_wait3A_570, %dma_wait3A_571] : memref<1024x128x4x128xf32, #tpu.memory_space<hbm>> -> memref<1x128x4x128xf32, #tpu.memory_space<hbm>>
    %dma_wait3A_573 = arith.constant 0 : i32
    %dma_wait3A_574 = arith.constant 0 : i32
    %dma_wait3A_575 = arith.constant 0 : i32
    %dma_wait3A_576 = tpu.memref_slice %arg2[%add3A_96, %dma_wait3A_573, %dma_wait3A_574, %dma_wait3A_575] : memref<2048x128x4x128xf32, #tpu.memory_space<hbm>> -> memref<1x128x4x128xf32, #tpu.memory_space<hbm>>
    tpu.wait_dma2 semaphore(%arg4 : memref<!tpu.dma_semaphore, #tpu.memory_space<semaphore_mem>>) src(%dma_wait3A_576 : memref<1x128x4x128xf32, #tpu.memory_space<hbm>>) dst(%dma_wait3A_572 : memref<1x128x4x128xf32, #tpu.memory_space<hbm>>)
    %dma_wait3A_577 = arith.constant 0 : i32
    %dma_wait3A_578 = arith.constant 0 : i32
    %dma_wait3A_579 = arith.constant 0 : i32
    %dma_wait3A_580 = tpu.memref_slice %arg3[%add3A_102, %dma_wait3A_577, %dma_wait3A_578, %dma_wait3A_579] : memref<1024x128x4x128xf32, #tpu.memory_space<hbm>> -> memref<1x128x4x128xf32, #tpu.memory_space<hbm>>
    %dma_wait3A_581 = arith.constant 0 : i32
    %dma_wait3A_582 = arith.constant 0 : i32
    %dma_wait3A_583 = arith.constant 0 : i32
    %dma_wait3A_584 = tpu.memref_slice %arg2[%add3A_100, %dma_wait3A_581, %dma_wait3A_582, %dma_wait3A_583] : memref<2048x128x4x128xf32, #tpu.memory_space<hbm>> -> memref<1x128x4x128xf32, #tpu.memory_space<hbm>>
    tpu.wait_dma2 semaphore(%arg4 : memref<!tpu.dma_semaphore, #tpu.memory_space<semaphore_mem>>) src(%dma_wait3A_584 : memref<1x128x4x128xf32, #tpu.memory_space<hbm>>) dst(%dma_wait3A_580 : memref<1x128x4x128xf32, #tpu.memory_space<hbm>>)
    %dma_wait3A_585 = arith.constant 0 : i32
    %dma_wait3A_586 = arith.constant 0 : i32
    %dma_wait3A_587 = arith.constant 0 : i32
    %dma_wait3A_588 = tpu.memref_slice %arg3[%add3A_106, %dma_wait3A_585, %dma_wait3A_586, %dma_wait3A_587] : memref<1024x128x4x128xf32, #tpu.memory_space<hbm>> -> memref<1x128x4x128xf32, #tpu.memory_space<hbm>>
    %dma_wait3A_589 = arith.constant 0 : i32
    %dma_wait3A_590 = arith.constant 0 : i32
    %dma_wait3A_591 = arith.constant 0 : i32
    %dma_wait3A_592 = tpu.memref_slice %arg2[%add3A_104, %dma_wait3A_589, %dma_wait3A_590, %dma_wait3A_591] : memref<2048x128x4x128xf32, #tpu.memory_space<hbm>> -> memref<1x128x4x128xf32, #tpu.memory_space<hbm>>
    tpu.wait_dma2 semaphore(%arg4 : memref<!tpu.dma_semaphore, #tpu.memory_space<semaphore_mem>>) src(%dma_wait3A_592 : memref<1x128x4x128xf32, #tpu.memory_space<hbm>>) dst(%dma_wait3A_588 : memref<1x128x4x128xf32, #tpu.memory_space<hbm>>)
    %dma_wait3A_593 = arith.constant 0 : i32
    %dma_wait3A_594 = arith.constant 0 : i32
    %dma_wait3A_595 = arith.constant 0 : i32
    %dma_wait3A_596 = tpu.memref_slice %arg3[%add3A_110, %dma_wait3A_593, %dma_wait3A_594, %dma_wait3A_595] : memref<1024x128x4x128xf32, #tpu.memory_space<hbm>> -> memref<1x128x4x128xf32, #tpu.memory_space<hbm>>
    %dma_wait3A_597 = arith.constant 0 : i32
    %dma_wait3A_598 = arith.constant 0 : i32
    %dma_wait3A_599 = arith.constant 0 : i32
    %dma_wait3A_600 = tpu.memref_slice %arg2[%add3A_108, %dma_wait3A_597, %dma_wait3A_598, %dma_wait3A_599] : memref<2048x128x4x128xf32, #tpu.memory_space<hbm>> -> memref<1x128x4x128xf32, #tpu.memory_space<hbm>>
    tpu.wait_dma2 semaphore(%arg4 : memref<!tpu.dma_semaphore, #tpu.memory_space<semaphore_mem>>) src(%dma_wait3A_600 : memref<1x128x4x128xf32, #tpu.memory_space<hbm>>) dst(%dma_wait3A_596 : memref<1x128x4x128xf32, #tpu.memory_space<hbm>>)
    %dma_wait3A_601 = arith.constant 0 : i32
    %dma_wait3A_602 = arith.constant 0 : i32
    %dma_wait3A_603 = arith.constant 0 : i32
    %dma_wait3A_604 = tpu.memref_slice %arg3[%add3A_114, %dma_wait3A_601, %dma_wait3A_602, %dma_wait3A_603] : memref<1024x128x4x128xf32, #tpu.memory_space<hbm>> -> memref<1x128x4x128xf32, #tpu.memory_space<hbm>>
    %dma_wait3A_605 = arith.constant 0 : i32
    %dma_wait3A_606 = arith.constant 0 : i32
    %dma_wait3A_607 = arith.constant 0 : i32
    %dma_wait3A_608 = tpu.memref_slice %arg2[%add3A_112, %dma_wait3A_605, %dma_wait3A_606, %dma_wait3A_607] : memref<2048x128x4x128xf32, #tpu.memory_space<hbm>> -> memref<1x128x4x128xf32, #tpu.memory_space<hbm>>
    tpu.wait_dma2 semaphore(%arg4 : memref<!tpu.dma_semaphore, #tpu.memory_space<semaphore_mem>>) src(%dma_wait3A_608 : memref<1x128x4x128xf32, #tpu.memory_space<hbm>>) dst(%dma_wait3A_604 : memref<1x128x4x128xf32, #tpu.memory_space<hbm>>)
    %dma_wait3A_609 = arith.constant 0 : i32
    %dma_wait3A_610 = arith.constant 0 : i32
    %dma_wait3A_611 = arith.constant 0 : i32
    %dma_wait3A_612 = tpu.memref_slice %arg3[%add3A_118, %dma_wait3A_609, %dma_wait3A_610, %dma_wait3A_611] : memref<1024x128x4x128xf32, #tpu.memory_space<hbm>> -> memref<1x128x4x128xf32, #tpu.memory_space<hbm>>
    %dma_wait3A_613 = arith.constant 0 : i32
    %dma_wait3A_614 = arith.constant 0 : i32
    %dma_wait3A_615 = arith.constant 0 : i32
    %dma_wait3A_616 = tpu.memref_slice %arg2[%add3A_116, %dma_wait3A_613, %dma_wait3A_614, %dma_wait3A_615] : memref<2048x128x4x128xf32, #tpu.memory_space<hbm>> -> memref<1x128x4x128xf32, #tpu.memory_space<hbm>>
    tpu.wait_dma2 semaphore(%arg4 : memref<!tpu.dma_semaphore, #tpu.memory_space<semaphore_mem>>) src(%dma_wait3A_616 : memref<1x128x4x128xf32, #tpu.memory_space<hbm>>) dst(%dma_wait3A_612 : memref<1x128x4x128xf32, #tpu.memory_space<hbm>>)
    %dma_wait3A_617 = arith.constant 0 : i32
    %dma_wait3A_618 = arith.constant 0 : i32
    %dma_wait3A_619 = arith.constant 0 : i32
    %dma_wait3A_620 = tpu.memref_slice %arg3[%add3A_122, %dma_wait3A_617, %dma_wait3A_618, %dma_wait3A_619] : memref<1024x128x4x128xf32, #tpu.memory_space<hbm>> -> memref<1x128x4x128xf32, #tpu.memory_space<hbm>>
    %dma_wait3A_621 = arith.constant 0 : i32
    %dma_wait3A_622 = arith.constant 0 : i32
    %dma_wait3A_623 = arith.constant 0 : i32
    %dma_wait3A_624 = tpu.memref_slice %arg2[%add3A_120, %dma_wait3A_621, %dma_wait3A_622, %dma_wait3A_623] : memref<2048x128x4x128xf32, #tpu.memory_space<hbm>> -> memref<1x128x4x128xf32, #tpu.memory_space<hbm>>
    tpu.wait_dma2 semaphore(%arg4 : memref<!tpu.dma_semaphore, #tpu.memory_space<semaphore_mem>>) src(%dma_wait3A_624 : memref<1x128x4x128xf32, #tpu.memory_space<hbm>>) dst(%dma_wait3A_620 : memref<1x128x4x128xf32, #tpu.memory_space<hbm>>)
    %dma_wait3A_625 = arith.constant 0 : i32
    %dma_wait3A_626 = arith.constant 0 : i32
    %dma_wait3A_627 = arith.constant 0 : i32
    %dma_wait3A_628 = tpu.memref_slice %arg3[%add3A_126, %dma_wait3A_625, %dma_wait3A_626, %dma_wait3A_627] : memref<1024x128x4x128xf32, #tpu.memory_space<hbm>> -> memref<1x128x4x128xf32, #tpu.memory_space<hbm>>
    %dma_wait3A_629 = arith.constant 0 : i32
    %dma_wait3A_630 = arith.constant 0 : i32
    %dma_wait3A_631 = arith.constant 0 : i32
    %dma_wait3A_632 = tpu.memref_slice %arg2[%add3A_124, %dma_wait3A_629, %dma_wait3A_630, %dma_wait3A_631] : memref<2048x128x4x128xf32, #tpu.memory_space<hbm>> -> memref<1x128x4x128xf32, #tpu.memory_space<hbm>>
    tpu.wait_dma2 semaphore(%arg4 : memref<!tpu.dma_semaphore, #tpu.memory_space<semaphore_mem>>) src(%dma_wait3A_632 : memref<1x128x4x128xf32, #tpu.memory_space<hbm>>) dst(%dma_wait3A_628 : memref<1x128x4x128xf32, #tpu.memory_space<hbm>>)
    %dma_wait3A_633 = arith.constant 0 : i32
    %dma_wait3A_634 = arith.constant 0 : i32
    %dma_wait3A_635 = arith.constant 0 : i32
    %dma_wait3A_636 = tpu.memref_slice %arg3[%add3A_130, %dma_wait3A_633, %dma_wait3A_634, %dma_wait3A_635] : memref<1024x128x4x128xf32, #tpu.memory_space<hbm>> -> memref<1x128x4x128xf32, #tpu.memory_space<hbm>>
    %dma_wait3A_637 = arith.constant 0 : i32
    %dma_wait3A_638 = arith.constant 0 : i32
    %dma_wait3A_639 = arith.constant 0 : i32
    %dma_wait3A_640 = tpu.memref_slice %arg2[%add3A_128, %dma_wait3A_637, %dma_wait3A_638, %dma_wait3A_639] : memref<2048x128x4x128xf32, #tpu.memory_space<hbm>> -> memref<1x128x4x128xf32, #tpu.memory_space<hbm>>
    tpu.wait_dma2 semaphore(%arg4 : memref<!tpu.dma_semaphore, #tpu.memory_space<semaphore_mem>>) src(%dma_wait3A_640 : memref<1x128x4x128xf32, #tpu.memory_space<hbm>>) dst(%dma_wait3A_636 : memref<1x128x4x128xf32, #tpu.memory_space<hbm>>)
    return
  }
}

</mosaic_0001>

<sc_bundles>
// kernel: kernel.3.cloned.1.call-start
scs
__scs_entry_jumppad:
0x0: {  	(pc) =	sbr.rel $0x88, $3  }
0x1: {  	(tag) =	ssettag $0x0;
	lr =	simm.s32 $0x1  }
0x2: {  	[smem:$0x3FA0] =	sst lr;
	_ =	strace $0xD0000000  }
0x3: {  	_ = 	snop  }
0x4: {  	_ = 	snop  }
0x5: {  	_ = 	snop  }
0x6: {  	_ = 	snop  }
0x7: {  	_ = 	snop  }
__scs_overlays_trampoline_lowered:
0x8: {  	[smem:$0x3FAF] =	sst s0  }
0x9: {  	[smem:$0x3FB0] =	sst s1  }
0xa: {  	[smem:$0x3FB1] =	sst s2  }
0xb: {  	[smem:$0x3FB2] =	sst s3  }
0xc: {  	[smem:$0x3FB3] =	sst s4  }
0xd: {  	[smem:$0x3FB4] =	sst s5  }
0xe: {  	[smem:$0x3FB5] =	sst s6  }
0xf: {  	[smem:$0x3FB6] =	sst s7  }
0x10: {  	[smem:$0x3FB7] =	sst s8  }
0x11: {  	[smem:$0x3FB8] =	sst s9;
	s0 =	simm.s32 @!p0 $0x0  }
0x12: {  	s1 =	sld [smem:$0x3F9E];
	s0 =	simm.s32 @p0 $0x1  }
0x13: {  	[smem:$0x3FB9] =	sst s0;
	s0 =	simm.s32 @!p1 $0x0  }
0x14: {  	s2 =	sld [smem:$0x3F9D];
	s0 =	simm.s32 @p1 $0x1  }
0x15: {  	[smem:$0x3FBA] =	sst s0;
	s0 =	simm.s32 @!p2 $0x0  }
0x16: {  	s3 =	sld [smem:$0x3FDB];
	s0 =	simm.s32 @p2 $0x1  }
0x17: {  	s4 =	simm.s32 $0x1BF5;
	[smem:$0x3FBC] =	sst s0  }
0x18: {  	s0 =	sld [smem:$0x3F9F];
	_ =	swait.ge [sflag:s4], $0x0  }
0x19: {  	s7 =	sld [smem:$0x3FA0]  }
0x1a: {  	s8 =	sadd.s32 $0xFFFFE003, lr  }
0x1b: {  	s9 =	sadd.s32 $0xFFFFFEF7, lr;
	s5 =	simm.s32 $0xFFFFFFFF;
	p2 =	slt.u32 s8, $0xFFFFF086  }
0x1c: {  	p1 =	slt.u32 s9, $0xF7A;
	s5 =	simm.s32 @!p2 $0x0  }
0x1d: {  	s5 =	simm.s32 @p1 $0x1;
	p0 =	seq.s32 s7, s2  }
0x1e: {  	s7 =	smul.u32 @!p0 $0xF7A, s2;
	p2 =	seq.s32 @!p0 s5, $0x0  }
0x1f: {  	s9 =	smul.u32 $0xF7A, s1;
	s8 =	simm.s32 @!p0 $0x1BF5;
	p2 =	por !p2, p0  }
0x20: {  	[sflag:s8] =	ssyncset.s32 @!p0 $0xFFFFF086;
	s6 =	sadd.s32 @!p0 s3, s7;
	s7 =	simm.s32 @!p0 $0x108  }
0x21: {  	s3 =	sadd.s32 s3, s9;
	s6 =	sadd.s32 @!p0 $0x88, s6;
	s7 =	simm.s32 @p2 $0x1082  }
0x22: {  	[simem:s7], [sflag:s8] =	dma.local @!p0 [hbm:s6], $0xF7A  }
0x23: {  	s9 =	sor.u32 $0xD0000000, s2;
	s6 =	simm.s32 $0x108;
	_ =	swait.ge @!p0 [sflag:s8], $0x0  }
0x24: {  	s3 =	sadd.s32 $0x88, s3;
	s6 =	simm.s32 @!p1 $0x1082;
	[sflag:s4] =	ssyncset.s32 $0xFFFFF086  }
0x25: {  	[simem:s6], [sflag:s4] =	dma.local [hbm:s3], $0xF7A  }
0x26: {  	[smem:$0x3FA0] =	sst s1;
	(tag) =	ssettag s2;
	_ =	strace s9  }
0x27: {  	s1 =	sld [smem:$0x3FB0]  }
0x28: {  	s2 =	sld [smem:$0x3FB1]  }
0x29: {  	s4 =	sld [smem:$0x3FB3]  }
0x2a: {  	p0 =	seq.s32 s5, $0x0;
	s5 =	sld [smem:$0x3FB4]  }
0x2b: {  	s6 =	sld [smem:$0x3FB5]  }
0x2c: {  	s7 =	sld [smem:$0x3FB6]  }
0x2d: {  	s3 =	simm.s32 $0x108;
	s8 =	sld [smem:$0x3FB7]  }
0x2e: {  	s3 =	simm.s32 @!p0 $0x1082;
	s9 =	sld [smem:$0x3FB8]  }
0x2f: {  	lr =	sadd.s32 s0, s3;
	s0 =	sld [smem:$0x3FAF]  }
0x30: {  	s3 =	sld [smem:$0x3FB2]  }
0x31: {  	[smem:$0x3FBB] =	sst s10  }
0x32: {  	s10 =	sld [smem:$0x3FB9];
	_ =	sdelay $0x3  }
0x33: {  	p0 =	seq.s32 s10, $0x1;
	s10 =	sld [smem:$0x3FBB];
	_ =	sdelay $0x3  }
0x34: {  	[smem:$0x3FBB] =	sst s10  }
0x35: {  	s10 =	sld [smem:$0x3FBA];
	_ =	sdelay $0x3  }
0x36: {  	p1 =	seq.s32 s10, $0x1;
	s10 =	sld [smem:$0x3FBB];
	_ =	sdelay $0x3  }
0x37: {  	[smem:$0x3FBB] =	sst s10  }
0x38: {  	s10 =	sld [smem:$0x3FBC]  }
0x39: {  	_ = 	snop;
	(pc) =	sbr.ind lr, $3  }
0x3a: {  	_ = 	snop  }
0x3b: {  	_ = 	snop  }
0x3c: {  	p2 =	seq.s32 s10, $0x1;
	s10 =	sld [smem:$0x3FBB]  }
0x3d: {  	_ =	shalt  }
0x3e: {  	_ =	shalt  }
0x3f: {  	_ =	shalt  }
0x40: {  	_ =	shalt  }
0x41: {  	_ =	shalt  }
0x42: {  	_ =	shalt  }
0x43: {  	_ =	shalt  }
0x44: {  	_ =	shalt  }
0x45: {  	_ =	shalt  }
0x46: {  	_ =	shalt  }
0x47: {  	_ =	shalt  }
0x48: {  	_ =	shalt  }
0x49: {  	_ =	shalt  }
0x4a: {  	_ =	shalt  }
0x4b: {  	_ =	shalt  }
0x4c: {  	_ =	shalt  }
0x4d: {  	_ =	shalt  }
0x4e: {  	_ =	shalt  }
0x4f: {  	_ =	shalt  }
0x50: {  	_ =	shalt  }
0x51: {  	_ =	shalt  }
0x52: {  	_ =	shalt  }
0x53: {  	_ =	shalt  }
0x54: {  	_ =	shalt  }
0x55: {  	_ =	shalt  }
0x56: {  	_ =	shalt  }
0x57: {  	_ =	shalt  }
0x58: {  	_ =	shalt  }
0x59: {  	_ =	shalt  }
0x5a: {  	_ =	shalt  }
0x5b: {  	_ =	shalt  }
0x5c: {  	_ =	shalt  }
0x5d: {  	_ =	shalt  }
0x5e: {  	_ =	shalt  }
0x5f: {  	_ =	shalt  }
0x60: {  	_ =	shalt  }
0x61: {  	_ =	shalt  }
0x62: {  	_ =	shalt  }
0x63: {  	_ =	shalt  }
0x64: {  	_ =	shalt  }
0x65: {  	_ =	shalt  }
0x66: {  	_ =	shalt  }
0x67: {  	_ =	shalt  }
0x68: {  	_ =	shalt  }
0x69: {  	_ =	shalt  }
0x6a: {  	_ =	shalt  }
0x6b: {  	_ =	shalt  }
0x6c: {  	_ =	shalt  }
0x6d: {  	_ =	shalt  }
0x6e: {  	_ =	shalt  }
0x6f: {  	_ =	shalt  }
0x70: {  	_ =	shalt  }
0x71: {  	_ =	shalt  }
0x72: {  	_ =	shalt  }
0x73: {  	_ =	shalt  }
0x74: {  	_ =	shalt  }
0x75: {  	_ =	shalt  }
0x76: {  	_ =	shalt  }
0x77: {  	_ =	shalt  }
0x78: {  	_ =	shalt  }
0x79: {  	_ =	shalt  }
0x7a: {  	_ =	shalt  }
0x7b: {  	_ =	shalt  }
0x7c: {  	_ =	shalt  }
0x7d: {  	_ =	shalt  }
0x7e: {  	_ =	shalt  }
0x7f: {  	_ =	shalt  }
0x80: {  	_ =	shalt  }
0x81: {  	_ =	shalt  }
0x82: {  	_ =	shalt  }
0x83: {  	_ =	shalt  }
0x84: {  	_ =	shalt  }
0x85: {  	_ =	shalt  }
0x86: {  	_ =	shalt  }
0x87: {  	_ =	shalt  }
.Lfunc_end0:
.L_simem_size_0:
called_computation_lowered:
.L_overlay_start_0:
0x88: {  	s2 =	sld [smem:$0x3FD9]  }
0x89: {  	s3 =	sld [smem:$0x3FFE];
	_ =	sdelay $0x1  }
0x8a: {  	s1 =	srdreg.scid  }
0x8b: {  	s0 =	sand.u32 $0x1, s1  }
0x8c: {  	s18 =	sshll.u32 s0, $0xA;
	s2 =	sadd.s32 s3, s2  }
0x8d: {  	s2 =	sadd.s32 s2, s18  }
0x8e: {  	[smem:$0x3FC7] =	sst s2  }
0x8f: {  	_ = 	snop  }
0x90: {  	s2 =	sld [smem:$0x3FC9]  }
0x91: {  	s19 =	sld [smem:$0x3FD0];
	(tm) =	ssettm $0x1  }
0x92: {  	s4 =	sld [smem:$0x3FFB];
	_ =	sdelay $0x3  }
0x93: {  	_ =	strace s4  }
0x94: {  	s4 =	sld [smem:$0x3FFC];
	_ =	sdelay $0x3  }
0x95: {  	_ =	strace s4  }
0x96: {  	s4 =	sld [smem:$0x3FFD];
	_ =	sdelay $0x3  }
0x97: {  	_ =	strace s4  }
0x98: {  	_ =	strace $0x8FFFFFFF  }
0x99: {  	s20 =	sld [smem:$0x3FDB];
	_ =	sdelay $0x1  }
0x9a: {  	s5 =	simm.s32 $_scs_section_size  }
0x9b: {  	s6 =	simm.s32 $_size__tile_overlayer_lowered;
	s7 =	simm.s32 $_tile_overlayer_lowered  }
0x9c: {  	s23 =	simm.s32 $0x1BFF;
	s22 =	sshll.u32 s7, $0x1;
	s4 =	sadd.s32 s5, s20  }
0x9d: {  	s8 =	simm.s32 $0x0;
	s21 =	sshll.u32 s6, $0x1;
	s6 =	sadd.s32 s22, s4  }
0x9e: {  	[timem:s8], [sflag:s23] =	dma.local [hbm:s6], s21  }
0x9f: {  	_ =	swait.ge [sflag:s23], s21  }
0xa0: {  	s5 =	ssub.s32 $0x0, s21;
	[sflag:s23] =	ssyncset.done $0x0  }
0xa1: {  	[sflag:s23] =	ssyncadd.s32 s5;
	_ =	sdelay $0x1  }
0xa2: {  	s24 =	simm.s32 $0x1B8B  }
0xa3: {  	_ =	swait.ge [sflag:s24], $0x1  }
0xa4: {  	[sflag:s24] =	ssyncset.done $0x0  }
0xa5: {  	s25 =	simm.s32 $0x1B8E;
	[sflag:s24] =	ssyncadd.s32 $0xFFFFFFFF  }
0xa6: {  	s26 =	simm.s32 $execute0_lowered;
	[smem:$0x3FD2] =	sst s25  }
0xa7: {  	s5 =	sshll.u32 s26, $0x1;
	_ =	strace $0x80000046;
	[dreg:$0x1] =	wrdreg $0xFFFFFFFF  }
0xa8: {  	s28 =	simm.s32 $_size_execute0_lowered;
	s4 =	sadd.s32 s4, s5;
	[dreg:$0x0] =	wrdreg $0x0  }
0xa9: {  	s5 =	sshll.u32 s28, $0x1;
	[dreg:$0x2] =	wrdreg s4  }
0xaa: {  	[dreg:$0x3] =	wrdreg s5  }
0xab: {  	[dreg:$0x4] =	wrdreg $0xC0  }
0xac: {  	_ =	task [dreg:s8], $0x5FFFF  }
0xad: {  	[dreg:$0x1] =	wrdreg $0xFFFFFFFF  }
0xae: {  	[dreg:$0x0] =	wrdreg $0x60  }
0xaf: {  	[dreg:$0x2] =	wrdreg s2  }
0xb0: {  	[dreg:$0x3] =	wrdreg s19  }
0xb1: {  	[dreg:$0x4] =	wrdreg $0x9  }
0xb2: {  	_ =	task.clear_ibuf [dreg:s8], $0x5FFFF;
	_ =	strace $0x90000046  }
0xb3: {  	s29 =	simm.s32 $0x9;
	_ =	strace $0x80000048  }
0xb4: {  	_ =	swait.ge [sflag:s29], $0x1  }
0xb5: {  	[sflag:s29] =	ssyncadd.s32 $0xFFFFFFFF  }
0xb6: {  	_ =	strace $0x90000048  }
0xb7: {  	_ =	sfence  }
0xb8: {  	s30 =	sld [smem:$0x0];
	_ =	sdelay $0x2  }
0xb9: {  	s31 =	sshll.u32 s1, $0xD;
	s1 =	sshrl.u32 s1, $0x2  }
0xba: {  	s3 =	sand.u32 $0x4000, s31;
	s1 =	sadd.s32 s1, s30  }
0xbb: {  	s0 =	sor.u32 s3, s0;
	s1 =	sshll.u32 s1, $0x11  }
0xbc: {  	s0 =	sor.u32 s1, s0  }
0xbd: {  	s0 =	sadd.s32 $0x8F2B, s0  }
0xbe: {  	[sflag:s0] =	ssyncadd.remote.s32 $0x1  }
0xbf: {  	_ =	sfence.sel $0xFFFF  }
0xc0: {  	[dreg:$0x0] =	wrdreg $0xFFFFFFFF;
	(pc) =	sbr.abs _section_cstart, $3  }
0xc1: {  	[dreg:$0x1] =	wrdreg $0xFFFFFFFF  }
0xc2: {  	_ =	task.clear_ibuf [dreg:s8], $0x2FFFF;
	_ =	strace $0x9FFFFFFF  }
0xc3: {  	(tm) =	ssettm $0x7FFFFFFF  }
tec
execute0_lowered:
.L_overlay_start_1:
0x0: {  	(tag) =	ssettag $0x1  }
0x1: {  	s26 =	rddreg [dreg:$0x0];
	s0 =	srdreg.scid  }
0x2: {  	s1 =	stileid.u32;
	s2 =	simm.s32 $0x0;
	s0 =	sand.u32 $0x1, s0  }
0x3: {  	s3 =	sshll.u32 s1, $0x13;
	[smem:$0x7FF] =	sst s2;
	s4 =	sshll.u32 s0, $0x12  }
0x4: {  	[smem:$0x7FD] =	sst s0;
	s28 =	sor.u32 s4, s3  }
0x5: {  	s31 =	rddreg [dreg:$0x1];
	_ =	strace $0x80000047;
	s12 =	sadd.s32 s26, s28  }
0x6: {  	s13 =	sadd.s32 s31, s28;
	s3 =	sor.u32 $0x2000, s28;
	[dreg:$0x3] =	wrdreg s12  }
0x7: {  	[dreg:$0x4] =	wrdreg s13;
	s14 =	sadd.s32 s26, s3  }
0x8: {  	s16 =	sor.u32 $0x4000, s28;
	s15 =	sadd.s32 s31, s3;
	[dreg:$0x5] =	wrdreg s14  }
0x9: {  	s17 =	sadd.s32 s26, s16;
	[dreg:$0x6] =	wrdreg s15  }
0xa: {  	s19 =	sor.u32 $0x6000, s28;
	s18 =	sadd.s32 s31, s16;
	[dreg:$0x7] =	wrdreg s17  }
0xb: {  	s20 =	sadd.s32 s26, s19;
	[dreg:$0x8] =	wrdreg s18  }
0xc: {  	s22 =	sor.u32 $0x8000, s28;
	s21 =	sadd.s32 s31, s19;
	[dreg:$0x9] =	wrdreg s20  }
0xd: {  	s23 =	sadd.s32 s26, s22;
	[dreg:$0xa] =	wrdreg s21  }
0xe: {  	s25 =	sor.u32 $0xA000, s28;
	s24 =	sadd.s32 s31, s22;
	[dreg:$0xb] =	wrdreg s23  }
0xf: {  	s0 =	sadd.s32 s26, s25;
	[dreg:$0xc] =	wrdreg s24  }
0x10: {  	s4 =	sor.u32 $0xC000, s28;
	s3 =	sadd.s32 s31, s25;
	[dreg:$0xd] =	wrdreg s0  }
0x11: {  	s5 =	sadd.s32 s26, s4;
	[dreg:$0xe] =	wrdreg s3  }
0x12: {  	s7 =	sor.u32 $0xE000, s28;
	s6 =	sadd.s32 s31, s4;
	[dreg:$0xf] =	wrdreg s5  }
0x13: {  	s8 =	sadd.s32 s26, s7;
	[dreg:$0x10] =	wrdreg s6  }
0x14: {  	s10 =	sor.u32 $0x10000, s28;
	s9 =	sadd.s32 s31, s7;
	[dreg:$0x11] =	wrdreg s8  }
0x15: {  	s11 =	sadd.s32 s26, s10;
	[dreg:$0x12] =	wrdreg s9  }
0x16: {  	s12 =	sadd.s32 s31, s10;
	s13 =	sor.u32 $0x12000, s28;
	[dreg:$0x13] =	wrdreg s11  }
0x17: {  	s16 =	sor.u32 $0x14000, s28;
	[dreg:$0x14] =	wrdreg s12;
	s14 =	sadd.s32 s26, s13  }
0x18: {  	s17 =	sadd.s32 s26, s16;
	s18 =	sadd.s32 s31, s16;
	s16 =	rddreg [dreg:$0x3]  }
0x19: {  	s15 =	sadd.s32 s31, s13;
	[dreg:$0x15] =	wrdreg s14  }
0x1a: {  	[dreg:$0x16] =	wrdreg s15  }
0x1b: {  	s19 =	sor.u32 $0x16000, s28;
	[dreg:$0x17] =	wrdreg s17  }
0x1c: {  	s20 =	sadd.s32 s26, s19;
	[dreg:$0x18] =	wrdreg s18  }
0x1d: {  	s22 =	sor.u32 $0x18000, s28;
	s21 =	sadd.s32 s31, s19;
	[dreg:$0x19] =	wrdreg s20  }
0x1e: {  	s23 =	sadd.s32 s26, s22;
	[dreg:$0x1a] =	wrdreg s21  }
0x1f: {  	s25 =	sor.u32 $0x1A000, s28;
	s24 =	sadd.s32 s31, s22;
	[dreg:$0x1b] =	wrdreg s23  }
0x20: {  	s0 =	sadd.s32 s26, s25;
	[dreg:$0x1c] =	wrdreg s24  }
0x21: {  	s4 =	sadd.s32 s31, s25;
	[dreg:$0x1d] =	wrdreg s0  }
0x22: {  	s5 =	sor.u32 $0x1C000, s28;
	[dreg:$0x1e] =	wrdreg s4  }
0x23: {  	s6 =	sadd.s32 s26, s5;
	s7 =	sadd.s32 s31, s5;
	s5 =	rddreg [dreg:$0x4]  }
0x24: {  	s8 =	sor.u32 $0x1E000, s28;
	[dreg:$0x1f] =	wrdreg s6  }
0x25: {  	s9 =	sadd.s32 s26, s8;
	[smem:$0x7E7] =	sst s7  }
0x26: {  	s11 =	sor.u32 $0x20000, s28;
	s10 =	sadd.s32 s31, s8;
	[smem:$0x7E8] =	sst s9  }
0x27: {  	s12 =	sadd.s32 s26, s11;
	[smem:$0x7E9] =	sst s10  }
0x28: {  	s13 =	sadd.s32 s31, s11;
	s14 =	sor.u32 $0x22000, s28;
	[smem:$0x7EA] =	sst s12  }
0x29: {  	[smem:$0x7EB] =	sst s13;
	s15 =	sadd.s32 s26, s14  }
0x2a: {  	s18 =	sor.u32 $0x24000, s28;
	s17 =	sadd.s32 s31, s14;
	[smem:$0x7EC] =	sst s15  }
0x2b: {  	s6 =	sshll.u32 s1, $0x6;
	s7 =	sadd.s32 s26, s18;
	[smem:$0x7ED] =	sst s17  }
0x2c: {  	s2 =	sor.u32 $0x1C01, s6;
	[smem:$0x7EE] =	sst s7  }
0x2d: {  	[hbm:s5], [sflag:s2] =	dma.local [hbm:s16], $0x2000  }
0x2e: {  	s4 =	rddreg [dreg:$0x5]  }
0x2f: {  	s5 =	rddreg [dreg:$0x6]  }
0x30: {  	[hbm:s5], [sflag:s2] =	dma.local [hbm:s4], $0x2000  }
0x31: {  	s4 =	rddreg [dreg:$0x7]  }
0x32: {  	s5 =	rddreg [dreg:$0x8]  }
0x33: {  	[hbm:s5], [sflag:s2] =	dma.local [hbm:s4], $0x2000  }
0x34: {  	s4 =	rddreg [dreg:$0x9]  }
0x35: {  	s5 =	rddreg [dreg:$0xa]  }
0x36: {  	[hbm:s5], [sflag:s2] =	dma.local [hbm:s4], $0x2000  }
0x37: {  	s4 =	rddreg [dreg:$0xb]  }
0x38: {  	s5 =	rddreg [dreg:$0xc]  }
0x39: {  	[hbm:s5], [sflag:s2] =	dma.local [hbm:s4], $0x2000  }
0x3a: {  	s4 =	rddreg [dreg:$0xd]  }
0x3b: {  	s5 =	rddreg [dreg:$0xe]  }
0x3c: {  	[hbm:s5], [sflag:s2] =	dma.local [hbm:s4], $0x2000  }
0x3d: {  	s4 =	rddreg [dreg:$0xf]  }
0x3e: {  	s5 =	rddreg [dreg:$0x10]  }
0x3f: {  	[hbm:s5], [sflag:s2] =	dma.local [hbm:s4], $0x2000  }
0x40: {  	s4 =	rddreg [dreg:$0x11]  }
0x41: {  	s5 =	rddreg [dreg:$0x12]  }
0x42: {  	[hbm:s5], [sflag:s2] =	dma.local [hbm:s4], $0x2000  }
0x43: {  	s4 =	rddreg [dreg:$0x13]  }
0x44: {  	s5 =	rddreg [dreg:$0x14]  }
0x45: {  	[hbm:s5], [sflag:s2] =	dma.local [hbm:s4], $0x2000  }
0x46: {  	s4 =	rddreg [dreg:$0x15]  }
0x47: {  	s5 =	rddreg [dreg:$0x16]  }
0x48: {  	[hbm:s5], [sflag:s2] =	dma.local [hbm:s4], $0x2000  }
0x49: {  	s4 =	rddreg [dreg:$0x17]  }
0x4a: {  	s5 =	rddreg [dreg:$0x18]  }
0x4b: {  	[hbm:s5], [sflag:s2] =	dma.local [hbm:s4], $0x2000  }
0x4c: {  	s4 =	rddreg [dreg:$0x19]  }
0x4d: {  	s5 =	rddreg [dreg:$0x1a]  }
0x4e: {  	[hbm:s5], [sflag:s2] =	dma.local [hbm:s4], $0x2000  }
0x4f: {  	s4 =	rddreg [dreg:$0x1b]  }
0x50: {  	s5 =	rddreg [dreg:$0x1c]  }
0x51: {  	[hbm:s5], [sflag:s2] =	dma.local [hbm:s4], $0x2000  }
0x52: {  	s4 =	rddreg [dreg:$0x1d]  }
0x53: {  	s5 =	rddreg [dreg:$0x1e]  }
0x54: {  	[hbm:s5], [sflag:s2] =	dma.local [hbm:s4], $0x2000  }
0x55: {  	s5 =	sld [smem:$0x7E7];
	_ =	sdelay $0x1  }
0x56: {  	s4 =	rddreg [dreg:$0x1f]  }
0x57: {  	[hbm:s5], [sflag:s2] =	dma.local [hbm:s4], $0x2000  }
0x58: {  	s5 =	sld [smem:$0x7E8]  }
0x59: {  	s19 =	sld [smem:$0x7E9]  }
0x5a: {  	s9 =	sor.u32 $0x2A000, s28  }
0x5b: {  	s23 =	sadd.s32 s26, s9  }
0x5c: {  	[hbm:s19], [sflag:s2] =	dma.local [hbm:s5], $0x2000  }
0x5d: {  	[smem:$0x7F0] =	sst s23  }
0x5e: {  	s20 =	sor.u32 $0x26000, s28;
	s11 =	sld [smem:$0x7EA]  }
0x5f: {  	s13 =	sor.u32 $0x2C000, s28;
	s24 =	sadd.s32 s31, s9;
	s12 =	sld [smem:$0x7EB]  }
0x60: {  	s14 =	sor.u32 $0x2E000, s28;
	s25 =	sadd.s32 s26, s13;
	[smem:$0x7F1] =	sst s24  }
0x61: {  	s1 =	sadd.s32 s26, s14;
	s15 =	sor.u32 $0x30000, s28;
	[smem:$0x7F2] =	sst s25  }
0x62: {  	[hbm:s12], [sflag:s2] =	dma.local [hbm:s11], $0x2000  }
0x63: {  	s21 =	sor.u32 $0x28000, s28;
	s3 =	sadd.s32 s26, s15;
	[smem:$0x7F3] =	sst s1  }
0x64: {  	s8 =	sadd.s32 s26, s20;
	s5 =	sadd.s32 s31, s15;
	[smem:$0x7F4] =	sst s3  }
0x65: {  	s22 =	sadd.s32 s26, s21;
	s10 =	sadd.s32 s31, s21;
	[smem:$0x7F5] =	sst s5  }
0x66: {  	s17 =	sor.u32 $0x32000, s28;
	s4 =	sadd.s32 s31, s18;
	s18 =	sld [smem:$0x7EC]  }
0x67: {  	s16 =	sadd.s32 s31, s20;
	s6 =	sadd.s32 s26, s17;
	s19 =	sld [smem:$0x7ED]  }
0x68: {  	s7 =	sadd.s32 s31, s17;
	s20 =	sor.u32 $0x34000, s28;
	[smem:$0x7F6] =	sst s6  }
0x69: {  	s21 =	sor.u32 $0x36000, s28;
	s9 =	sadd.s32 s26, s20;
	[smem:$0x7F7] =	sst s7  }
0x6a: {  	[hbm:s19], [sflag:s2] =	dma.local [hbm:s18], $0x2000  }
0x6b: {  	s23 =	sor.u32 $0x38000, s28;
	s11 =	sadd.s32 s26, s21;
	[smem:$0x7F8] =	sst s9  }
0x6c: {  	s12 =	sadd.s32 s26, s23;
	[smem:$0x7F9] =	sst s11  }
0x6d: {  	s15 =	sadd.s32 s31, s23;
	[smem:$0x7FA] =	sst s12  }
0x6e: {  	s25 =	sor.u32 $0x3A000, s28;
	[smem:$0x7FB] =	sst s15  }
0x6f: {  	s17 =	sadd.s32 s26, s25;
	s18 =	sld [smem:$0x7EE]  }
0x70: {  	[smem:$0x7FC] =	sst s17  }
0x71: {  	[smem:$0x7EF] =	sst s4  }
0x72: {  	[hbm:s4], [sflag:s2] =	dma.local [hbm:s18], $0x2000  }
0x73: {  	[hbm:s16], [sflag:s2] =	dma.local [hbm:s8], $0x2000  }
0x74: {  	[hbm:s10], [sflag:s2] =	dma.local [hbm:s22], $0x2000  }
0x75: {  	s24 =	sadd.s32 s31, s21;
	s21 =	sld [smem:$0x7F0]  }
0x76: {  	s7 =	smov.u32 s22;
	s22 =	sld [smem:$0x7F1];
	_ =	sdelay $0x2  }
0x77: {  	[hbm:s22], [sflag:s2] =	dma.local [hbm:s21], $0x2000  }
0x78: {  	s4 =	sld [smem:$0x7F2];
	_ =	sdelay $0x1  }
0x79: {  	s13 =	sadd.s32 s31, s13  }
0x7a: {  	[hbm:s13], [sflag:s2] =	dma.local [hbm:s4], $0x2000  }
0x7b: {  	s11 =	smov.u32 s4;
	s4 =	sld [smem:$0x7F3];
	_ =	sdelay $0x1  }
0x7c: {  	s14 =	sadd.s32 s31, s14  }
0x7d: {  	[hbm:s14], [sflag:s2] =	dma.local [hbm:s4], $0x2000  }
0x7e: {  	s12 =	smov.u32 s13;
	s13 =	smov.u32 s4;
	s4 =	sld [smem:$0x7F4]  }
0x7f: {  	s23 =	sld [smem:$0x7F5];
	_ =	sdelay $0x2  }
0x80: {  	[hbm:s23], [sflag:s2] =	dma.local [hbm:s4], $0x2000  }
0x81: {  	s15 =	smov.u32 s4;
	s4 =	sld [smem:$0x7F6]  }
0x82: {  	s30 =	sadd.s32 s31, s25;
	s25 =	sld [smem:$0x7F7];
	_ =	sdelay $0x2  }
0x83: {  	[hbm:s25], [sflag:s2] =	dma.local [hbm:s4], $0x2000  }
0x84: {  	s17 =	smov.u32 s4;
	s4 =	sld [smem:$0x7F8]  }
0x85: {  	s29 =	sor.u32 $0x3C000, s28;
	s19 =	sor.u32 $0x3E000, s28  }
0x86: {  	s20 =	sadd.s32 s31, s20;
	s1 =	sadd.s32 s26, s29;
	s26 =	sadd.s32 s26, s19  }
0x87: {  	[hbm:s20], [sflag:s2] =	dma.local [hbm:s4], $0x2000  }
0x88: {  	s0 =	sadd.s32 s31, s19;
	s19 =	smov.u32 s4;
	s4 =	sld [smem:$0x7F9]  }
0x89: {  	_ =	sdelay $0x1  }
0x8a: {  	[hbm:s24], [sflag:s2] =	dma.local [hbm:s4], $0x2000  }
0x8b: {  	s9 =	smov.u32 s21;
	s21 =	smov.u32 s4;
	s4 =	sld [smem:$0x7FA]  }
0x8c: {  	s28 =	sld [smem:$0x7FB];
	_ =	sdelay $0x1  }
0x8d: {  	s6 =	smov.u32 s16  }
0x8e: {  	[hbm:s28], [sflag:s2] =	dma.local [hbm:s4], $0x2000  }
0x8f: {  	s16 =	smov.u32 s23;
	s23 =	smov.u32 s4;
	s4 =	sld [smem:$0x7FC]  }
0x90: {  	_ = 	snop  }
0x91: {  	s3 =	sadd.s32 s31, s29  }
0x92: {  	[hbm:s30], [sflag:s2] =	dma.local [hbm:s4], $0x2000  }
0x93: {  	[hbm:s3], [sflag:s2] =	dma.local [hbm:s1], $0x2000  }
0x94: {  	[hbm:s0], [sflag:s2] =	dma.local [hbm:s26], $0x2000  }
0x95: {  	s31 =	smov.u32 s26;
	s26 =	simm.s32 $0x1  }
0x96: {  	_ =	swait.ge [sflag:s26], $0x2000  }
0x97: {  	[sflag:s26] =	ssyncset.done $0x0  }
0x98: {  	[sflag:s26] =	ssyncadd.s32 $0xFFFFE000  }
0x99: {  	_ =	swait.ge [sflag:s26], $0x2000  }
0x9a: {  	[sflag:s26] =	ssyncset.done $0x0  }
0x9b: {  	[sflag:s26] =	ssyncadd.s32 $0xFFFFE000  }
0x9c: {  	_ =	swait.ge [sflag:s26], $0x2000  }
0x9d: {  	[sflag:s26] =	ssyncset.done $0x0  }
0x9e: {  	[sflag:s26] =	ssyncadd.s32 $0xFFFFE000  }
0x9f: {  	_ =	swait.ge [sflag:s26], $0x2000  }
0xa0: {  	[sflag:s26] =	ssyncset.done $0x0  }
0xa1: {  	[sflag:s26] =	ssyncadd.s32 $0xFFFFE000  }
0xa2: {  	_ =	swait.ge [sflag:s26], $0x2000  }
0xa3: {  	[sflag:s26] =	ssyncset.done $0x0  }
0xa4: {  	[sflag:s26] =	ssyncadd.s32 $0xFFFFE000  }
0xa5: {  	_ =	swait.ge [sflag:s26], $0x2000  }
0xa6: {  	[sflag:s26] =	ssyncset.done $0x0  }
0xa7: {  	[sflag:s26] =	ssyncadd.s32 $0xFFFFE000  }
0xa8: {  	_ =	swait.ge [sflag:s26], $0x2000  }
0xa9: {  	[sflag:s26] =	ssyncset.done $0x0  }
0xaa: {  	[sflag:s26] =	ssyncadd.s32 $0xFFFFE000  }
0xab: {  	_ =	swait.ge [sflag:s26], $0x2000  }
0xac: {  	[sflag:s26] =	ssyncset.done $0x0  }
0xad: {  	[sflag:s26] =	ssyncadd.s32 $0xFFFFE000  }
0xae: {  	_ =	swait.ge [sflag:s26], $0x2000  }
0xaf: {  	[sflag:s26] =	ssyncset.done $0x0  }
0xb0: {  	[sflag:s26] =	ssyncadd.s32 $0xFFFFE000  }
0xb1: {  	_ =	swait.ge [sflag:s26], $0x2000  }
0xb2: {  	[sflag:s26] =	ssyncset.done $0x0  }
0xb3: {  	[sflag:s26] =	ssyncadd.s32 $0xFFFFE000  }
0xb4: {  	_ =	swait.ge [sflag:s26], $0x2000  }
0xb5: {  	[sflag:s26] =	ssyncset.done $0x0  }
0xb6: {  	[sflag:s26] =	ssyncadd.s32 $0xFFFFE000  }
0xb7: {  	_ =	swait.ge [sflag:s26], $0x2000  }
0xb8: {  	[sflag:s26] =	ssyncset.done $0x0  }
0xb9: {  	[sflag:s26] =	ssyncadd.s32 $0xFFFFE000  }
0xba: {  	_ =	swait.ge [sflag:s26], $0x2000  }
0xbb: {  	[sflag:s26] =	ssyncset.done $0x0  }
0xbc: {  	[sflag:s26] =	ssyncadd.s32 $0xFFFFE000  }
0xbd: {  	_ =	swait.ge [sflag:s26], $0x2000  }
0xbe: {  	[sflag:s26] =	ssyncset.done $0x0  }
0xbf: {  	[sflag:s26] =	ssyncadd.s32 $0xFFFFE000  }
0xc0: {  	_ =	swait.ge [sflag:s26], $0x2000  }
0xc1: {  	[sflag:s26] =	ssyncset.done $0x0  }
0xc2: {  	[sflag:s26] =	ssyncadd.s32 $0xFFFFE000  }
0xc3: {  	_ =	swait.ge [sflag:s26], $0x2000  }
0xc4: {  	[sflag:s26] =	ssyncset.done $0x0  }
0xc5: {  	[sflag:s26] =	ssyncadd.s32 $0xFFFFE000  }
0xc6: {  	_ =	swait.ge [sflag:s26], $0x2000  }
0xc7: {  	[sflag:s26] =	ssyncset.done $0x0  }
0xc8: {  	[sflag:s26] =	ssyncadd.s32 $0xFFFFE000  }
0xc9: {  	_ =	swait.ge [sflag:s26], $0x2000  }
0xca: {  	[sflag:s26] =	ssyncset.done $0x0  }
0xcb: {  	[sflag:s26] =	ssyncadd.s32 $0xFFFFE000  }
0xcc: {  	_ =	swait.ge [sflag:s26], $0x2000  }
0xcd: {  	[sflag:s26] =	ssyncset.done $0x0  }
0xce: {  	[sflag:s26] =	ssyncadd.s32 $0xFFFFE000  }
0xcf: {  	_ =	swait.ge [sflag:s26], $0x2000  }
0xd0: {  	[sflag:s26] =	ssyncset.done $0x0  }
0xd1: {  	[sflag:s26] =	ssyncadd.s32 $0xFFFFE000  }
0xd2: {  	_ =	swait.ge [sflag:s26], $0x2000  }
0xd3: {  	[sflag:s26] =	ssyncset.done $0x0  }
0xd4: {  	[sflag:s26] =	ssyncadd.s32 $0xFFFFE000  }
0xd5: {  	_ =	swait.ge [sflag:s26], $0x2000  }
0xd6: {  	[sflag:s26] =	ssyncset.done $0x0  }
0xd7: {  	[sflag:s26] =	ssyncadd.s32 $0xFFFFE000  }
0xd8: {  	_ =	swait.ge [sflag:s26], $0x2000  }
0xd9: {  	[sflag:s26] =	ssyncset.done $0x0  }
0xda: {  	[sflag:s26] =	ssyncadd.s32 $0xFFFFE000  }
0xdb: {  	_ =	swait.ge [sflag:s26], $0x2000  }
0xdc: {  	s29 =	smov.u32 s1;
	s1 =	sld [smem:$0x7FD]  }
0xdd: {  	s5 =	smov.u32 s8  }
0xde: {  	s8 =	smov.u32 s10;
	s10 =	smov.u32 s22;
	s18 =	smov.u32 s25  }
0xdf: {  	s25 =	smov.u32 s4;
	s4 =	smov.u32 s0;
	s0 =	ssub.s32 $0x2, s1  }
0xe0: {  	s22 =	smov.u32 s24;
	s24 =	smov.u32 s28;
	s28 =	sshrl.u32 s0, $0x1  }
0xe1: {  	[sflag:s26] =	ssyncset.done $0x0;
	s0 =	ssub.s32 s0, s28  }
0xe2: {  	[sflag:s26] =	ssyncadd.s32 $0xFFFFE000;
	s0 =	smax.u32 s0, $0x1  }
0xe3: {  	_ =	swait.ge [sflag:s26], $0x2000;
	p0 =	sne.s32 s0, $0x1  }
.Ltmp0:
0xe4: {  	[sflag:s26] =	ssyncset.done $0x0;
	(pc) =	sbr.rel @!p0 .LBB2_3-.Ltmp0, $4  }
0xe5: {  	[sflag:s26] =	ssyncadd.s32 $0xFFFFE000  }
0xe6: {  	_ =	swait.ge [sflag:s26], $0x2000  }
0xe7: {  	[sflag:s26] =	ssyncset.done $0x0  }
0xe8: {  	s0 =	sadd.s32 $0xFFFFFFFF, s0;
	[sflag:s26] =	ssyncadd.s32 $0xFFFFE000  }
0xe9: {  	s28 =	smov.u32 s30;
	s30 =	smov.u32 s3  }
.LBB2_2:
0xea: {  	_ =	swait.ge [sflag:s26], $0x2000  }
0xeb: {  	[sflag:s26] =	ssyncset.done $0x0  }
0xec: {  	[sflag:s26] =	ssyncadd.s32 $0xFFFFE000  }
0xed: {  	_ =	swait.ge [sflag:s26], $0x2000  }
0xee: {  	[sflag:s26] =	ssyncset.done $0x0  }
0xef: {  	[sflag:s26] =	ssyncadd.s32 $0xFFFFE000  }
0xf0: {  	_ =	swait.ge [sflag:s26], $0x2000  }
0xf1: {  	[sflag:s26] =	ssyncset.done $0x0  }
0xf2: {  	[sflag:s26] =	ssyncadd.s32 $0xFFFFE000  }
0xf3: {  	_ =	swait.ge [sflag:s26], $0x2000  }
0xf4: {  	[sflag:s26] =	ssyncset.done $0x0  }
0xf5: {  	[sflag:s26] =	ssyncadd.s32 $0xFFFFE000  }
0xf6: {  	_ =	swait.ge [sflag:s26], $0x2000  }
0xf7: {  	[sflag:s26] =	ssyncset.done $0x0  }
0xf8: {  	[sflag:s26] =	ssyncadd.s32 $0xFFFFE000  }
0xf9: {  	_ =	swait.ge [sflag:s26], $0x2000  }
0xfa: {  	s1 =	rddreg [dreg:$0x3];
	[sflag:s26] =	ssyncset.done $0x0  }
0xfb: {  	s3 =	rddreg [dreg:$0x4];
	[sflag:s26] =	ssyncadd.s32 $0xFFFFE000  }
0xfc: {  	[hbm:s3], [sflag:s2] =	dma.local [hbm:s1], $0x2000  }
0xfd: {  	s1 =	rddreg [dreg:$0x5]  }
0xfe: {  	s3 =	rddreg [dreg:$0x6]  }
0xff: {  	[hbm:s3], [sflag:s2] =	dma.local [hbm:s1], $0x2000  }
0x100: {  	s1 =	rddreg [dreg:$0x7]  }
0x101: {  	s3 =	rddreg [dreg:$0x8]  }
0x102: {  	[hbm:s3], [sflag:s2] =	dma.local [hbm:s1], $0x2000  }
0x103: {  	s1 =	rddreg [dreg:$0x9]  }
0x104: {  	s3 =	rddreg [dreg:$0xa]  }
0x105: {  	[hbm:s3], [sflag:s2] =	dma.local [hbm:s1], $0x2000  }
0x106: {  	s1 =	rddreg [dreg:$0xb]  }
0x107: {  	s3 =	rddreg [dreg:$0xc]  }
0x108: {  	[hbm:s3], [sflag:s2] =	dma.local [hbm:s1], $0x2000  }
0x109: {  	s1 =	rddreg [dreg:$0xd]  }
0x10a: {  	s3 =	rddreg [dreg:$0xe]  }
0x10b: {  	[hbm:s3], [sflag:s2] =	dma.local [hbm:s1], $0x2000  }
0x10c: {  	s1 =	rddreg [dreg:$0xf]  }
0x10d: {  	s3 =	rddreg [dreg:$0x10]  }
0x10e: {  	[hbm:s3], [sflag:s2] =	dma.local [hbm:s1], $0x2000  }
0x10f: {  	s1 =	rddreg [dreg:$0x11]  }
0x110: {  	s3 =	rddreg [dreg:$0x12]  }
0x111: {  	[hbm:s3], [sflag:s2] =	dma.local [hbm:s1], $0x2000  }
0x112: {  	s1 =	rddreg [dreg:$0x13]  }
0x113: {  	s3 =	rddreg [dreg:$0x14]  }
0x114: {  	[hbm:s3], [sflag:s2] =	dma.local [hbm:s1], $0x2000  }
0x115: {  	s1 =	rddreg [dreg:$0x15]  }
0x116: {  	s3 =	rddreg [dreg:$0x16]  }
0x117: {  	[hbm:s3], [sflag:s2] =	dma.local [hbm:s1], $0x2000  }
0x118: {  	s1 =	rddreg [dreg:$0x17]  }
0x119: {  	s3 =	rddreg [dreg:$0x18]  }
0x11a: {  	[hbm:s3], [sflag:s2] =	dma.local [hbm:s1], $0x2000  }
0x11b: {  	s1 =	rddreg [dreg:$0x19]  }
0x11c: {  	s3 =	rddreg [dreg:$0x1a]  }
0x11d: {  	[hbm:s3], [sflag:s2] =	dma.local [hbm:s1], $0x2000  }
0x11e: {  	s1 =	rddreg [dreg:$0x1b]  }
0x11f: {  	s3 =	rddreg [dreg:$0x1c]  }
0x120: {  	[hbm:s3], [sflag:s2] =	dma.local [hbm:s1], $0x2000  }
0x121: {  	s1 =	rddreg [dreg:$0x1d]  }
0x122: {  	s3 =	rddreg [dreg:$0x1e]  }
0x123: {  	[hbm:s3], [sflag:s2] =	dma.local [hbm:s1], $0x2000  }
0x124: {  	s3 =	sld [smem:$0x7E7];
	_ =	sdelay $0x1  }
0x125: {  	s1 =	rddreg [dreg:$0x1f]  }
0x126: {  	[hbm:s3], [sflag:s2] =	dma.local [hbm:s1], $0x2000  }
0x127: {  	s1 =	sld [smem:$0x7E8]  }
0x128: {  	s3 =	sld [smem:$0x7E9];
	_ =	sdelay $0x2  }
0x129: {  	[hbm:s3], [sflag:s2] =	dma.local [hbm:s1], $0x2000  }
0x12a: {  	s1 =	sld [smem:$0x7EA]  }
0x12b: {  	s3 =	sld [smem:$0x7EB];
	_ =	sdelay $0x2  }
0x12c: {  	[hbm:s3], [sflag:s2] =	dma.local [hbm:s1], $0x2000  }
0x12d: {  	s1 =	sld [smem:$0x7EC]  }
0x12e: {  	s3 =	sld [smem:$0x7ED];
	_ =	sdelay $0x2  }
0x12f: {  	[hbm:s3], [sflag:s2] =	dma.local [hbm:s1], $0x2000  }
0x130: {  	s1 =	sld [smem:$0x7EE]  }
0x131: {  	s3 =	sld [smem:$0x7EF];
	_ =	sdelay $0x2  }
0x132: {  	[hbm:s3], [sflag:s2] =	dma.local [hbm:s1], $0x2000  }
0x133: {  	[hbm:s6], [sflag:s2] =	dma.local [hbm:s5], $0x2000  }
0x134: {  	[hbm:s8], [sflag:s2] =	dma.local [hbm:s7], $0x2000  }
0x135: {  	[hbm:s10], [sflag:s2] =	dma.local [hbm:s9], $0x2000  }
0x136: {  	[hbm:s12], [sflag:s2] =	dma.local [hbm:s11], $0x2000  }
0x137: {  	[hbm:s14], [sflag:s2] =	dma.local [hbm:s13], $0x2000  }
0x138: {  	[hbm:s16], [sflag:s2] =	dma.local [hbm:s15], $0x2000  }
0x139: {  	[hbm:s18], [sflag:s2] =	dma.local [hbm:s17], $0x2000  }
0x13a: {  	[hbm:s20], [sflag:s2] =	dma.local [hbm:s19], $0x2000  }
0x13b: {  	[hbm:s22], [sflag:s2] =	dma.local [hbm:s21], $0x2000  }
0x13c: {  	[hbm:s24], [sflag:s2] =	dma.local [hbm:s23], $0x2000  }
0x13d: {  	[hbm:s28], [sflag:s2] =	dma.local [hbm:s25], $0x2000  }
0x13e: {  	[hbm:s30], [sflag:s2] =	dma.local [hbm:s29], $0x2000  }
0x13f: {  	[hbm:s4], [sflag:s2] =	dma.local [hbm:s31], $0x2000  }
0x140: {  	_ =	swait.ge [sflag:s26], $0x2000  }
0x141: {  	[sflag:s26] =	ssyncset.done $0x0  }
0x142: {  	[sflag:s26] =	ssyncadd.s32 $0xFFFFE000  }
0x143: {  	_ =	swait.ge [sflag:s26], $0x2000  }
0x144: {  	[sflag:s26] =	ssyncset.done $0x0  }
0x145: {  	[sflag:s26] =	ssyncadd.s32 $0xFFFFE000  }
0x146: {  	_ =	swait.ge [sflag:s26], $0x2000  }
0x147: {  	[sflag:s26] =	ssyncset.done $0x0  }
0x148: {  	[sflag:s26] =	ssyncadd.s32 $0xFFFFE000  }
0x149: {  	_ =	swait.ge [sflag:s26], $0x2000  }
0x14a: {  	[sflag:s26] =	ssyncset.done $0x0  }
0x14b: {  	[sflag:s26] =	ssyncadd.s32 $0xFFFFE000  }
0x14c: {  	_ =	swait.ge [sflag:s26], $0x2000  }
0x14d: {  	[sflag:s26] =	ssyncset.done $0x0  }
0x14e: {  	[sflag:s26] =	ssyncadd.s32 $0xFFFFE000  }
0x14f: {  	_ =	swait.ge [sflag:s26], $0x2000  }
0x150: {  	[sflag:s26] =	ssyncset.done $0x0  }
0x151: {  	[sflag:s26] =	ssyncadd.s32 $0xFFFFE000  }
0x152: {  	_ =	swait.ge [sflag:s26], $0x2000  }
0x153: {  	[sflag:s26] =	ssyncset.done $0x0  }
0x154: {  	[sflag:s26] =	ssyncadd.s32 $0xFFFFE000  }
0x155: {  	_ =	swait.ge [sflag:s26], $0x2000  }
0x156: {  	[sflag:s26] =	ssyncset.done $0x0  }
0x157: {  	[sflag:s26] =	ssyncadd.s32 $0xFFFFE000  }
0x158: {  	_ =	swait.ge [sflag:s26], $0x2000  }
0x159: {  	[sflag:s26] =	ssyncset.done $0x0  }
0x15a: {  	[sflag:s26] =	ssyncadd.s32 $0xFFFFE000  }
0x15b: {  	_ =	swait.ge [sflag:s26], $0x2000  }
0x15c: {  	[sflag:s26] =	ssyncset.done $0x0  }
0x15d: {  	[sflag:s26] =	ssyncadd.s32 $0xFFFFE000  }
0x15e: {  	_ =	swait.ge [sflag:s26], $0x2000  }
0x15f: {  	[sflag:s26] =	ssyncset.done $0x0  }
0x160: {  	[sflag:s26] =	ssyncadd.s32 $0xFFFFE000  }
0x161: {  	_ =	swait.ge [sflag:s26], $0x2000  }
0x162: {  	[sflag:s26] =	ssyncset.done $0x0  }
0x163: {  	[sflag:s26] =	ssyncadd.s32 $0xFFFFE000  }
0x164: {  	_ =	swait.ge [sflag:s26], $0x2000  }
0x165: {  	[sflag:s26] =	ssyncset.done $0x0  }
0x166: {  	[sflag:s26] =	ssyncadd.s32 $0xFFFFE000  }
0x167: {  	_ =	swait.ge [sflag:s26], $0x2000  }
0x168: {  	[sflag:s26] =	ssyncset.done $0x0  }
0x169: {  	[sflag:s26] =	ssyncadd.s32 $0xFFFFE000  }
0x16a: {  	_ =	swait.ge [sflag:s26], $0x2000  }
0x16b: {  	[sflag:s26] =	ssyncset.done $0x0  }
0x16c: {  	[sflag:s26] =	ssyncadd.s32 $0xFFFFE000  }
0x16d: {  	_ =	swait.ge [sflag:s26], $0x2000  }
0x16e: {  	[sflag:s26] =	ssyncset.done $0x0  }
0x16f: {  	[sflag:s26] =	ssyncadd.s32 $0xFFFFE000  }
0x170: {  	_ =	swait.ge [sflag:s26], $0x2000  }
0x171: {  	[sflag:s26] =	ssyncset.done $0x0  }
0x172: {  	[sflag:s26] =	ssyncadd.s32 $0xFFFFE000  }
0x173: {  	_ =	swait.ge [sflag:s26], $0x2000  }
0x174: {  	[sflag:s26] =	ssyncset.done $0x0  }
0x175: {  	[sflag:s26] =	ssyncadd.s32 $0xFFFFE000  }
0x176: {  	_ =	swait.ge [sflag:s26], $0x2000  }
0x177: {  	[sflag:s26] =	ssyncset.done $0x0  }
0x178: {  	[sflag:s26] =	ssyncadd.s32 $0xFFFFE000  }
0x179: {  	_ =	swait.ge [sflag:s26], $0x2000  }
0x17a: {  	[sflag:s26] =	ssyncset.done $0x0  }
0x17b: {  	[sflag:s26] =	ssyncadd.s32 $0xFFFFE000  }
0x17c: {  	_ =	swait.ge [sflag:s26], $0x2000  }
0x17d: {  	[sflag:s26] =	ssyncset.done $0x0  }
0x17e: {  	[sflag:s26] =	ssyncadd.s32 $0xFFFFE000  }
0x17f: {  	_ =	swait.ge [sflag:s26], $0x2000  }
0x180: {  	[sflag:s26] =	ssyncset.done $0x0  }
0x181: {  	[sflag:s26] =	ssyncadd.s32 $0xFFFFE000  }
0x182: {  	_ =	swait.ge [sflag:s26], $0x2000  }
0x183: {  	[sflag:s26] =	ssyncset.done $0x0  }
0x184: {  	[sflag:s26] =	ssyncadd.s32 $0xFFFFE000  }
0x185: {  	_ =	swait.ge [sflag:s26], $0x2000  }
0x186: {  	[sflag:s26] =	ssyncset.done $0x0  }
0x187: {  	[sflag:s26] =	ssyncadd.s32 $0xFFFFE000  }
0x188: {  	p0 =	sne.s32 s0, $0x1;
	_ =	swait.ge [sflag:s26], $0x2000  }
.Ltmp1:
0x189: {  	[sflag:s26] =	ssyncset.done $0x0;
	(pc) =	sbr.rel @p0 .LBB2_2-.Ltmp1, $4  }
0x18a: {  	[sflag:s26] =	ssyncadd.s32 $0xFFFFE000  }
0x18b: {  	_ =	swait.ge [sflag:s26], $0x2000  }
0x18c: {  	[sflag:s26] =	ssyncset.done $0x0  }
0x18d: {  	s0 =	sadd.s32 $0xFFFFFFFF, s0;
	[sflag:s26] =	ssyncadd.s32 $0xFFFFE000  }
.LBB2_3:
0x18e: {  	_ =	swait.ge [sflag:s26], $0x2000  }
0x18f: {  	[sflag:s26] =	ssyncset.done $0x0  }
0x190: {  	[sflag:s26] =	ssyncadd.s32 $0xFFFFE000  }
0x191: {  	_ =	swait.ge [sflag:s26], $0x2000  }
0x192: {  	[sflag:s26] =	ssyncset.done $0x0  }
0x193: {  	[sflag:s26] =	ssyncadd.s32 $0xFFFFE000  }
0x194: {  	_ =	swait.ge [sflag:s26], $0x2000  }
0x195: {  	[sflag:s26] =	ssyncset.done $0x0  }
0x196: {  	[sflag:s26] =	ssyncadd.s32 $0xFFFFE000  }
0x197: {  	_ =	swait.ge [sflag:s26], $0x2000  }
0x198: {  	[sflag:s26] =	ssyncset.done $0x0  }
0x199: {  	[sflag:s26] =	ssyncadd.s32 $0xFFFFE000  }
0x19a: {  	_ =	swait.ge [sflag:s26], $0x2000  }
0x19b: {  	[sflag:s26] =	ssyncset.done $0x0  }
0x19c: {  	[sflag:s26] =	ssyncadd.s32 $0xFFFFE000  }
0x19d: {  	_ =	swait.ge [sflag:s26], $0x2000  }
0x19e: {  	[sflag:s26] =	ssyncset.done $0x0  }
0x19f: {  	[sflag:s26] =	ssyncadd.s32 $0xFFFFE000  }
0x1a0: {  	_ =	sfence.sel $0x180000  }
0x1a1: {  	[bflag:$0x0] =	sbarrier.arrive $0xFFFF  }
0x1a2: {  	_ =	strace $0x90000047  }
0x1a3: {  	s0 =	stileid.u32;
	[bflag:$0x2] =	sbarrier.arrive $0xFFFF  }
0x1a4: {  	p0 =	sne.s32 s0, $0x0;
	s0 =	rddreg [dreg:$0x2]  }
0x1a5: {  	s0 =	sadd.s32 @!p0 $0x100000, s0  }
0x1a6: {  	[sflag:s0] =	ssyncadd.tile.s32 @!p0 $0x1;
	_ =	shalt  }
.Lfunc_end2:
_tile_overlayer_lowered:
.L_overlay_start_2:
0x1a7: {  	(tag) =	ssettag $0x2  }
0x1a8: {  	s0 =	rddreg [dreg:$0x0];
	s2 =	stileid.u32  }
0x1a9: {  	s1 =	rddreg [dreg:$0x1];
	p0 =	sne.s32 s2, $0x0  }
0x1aa: {  	s3 =	rddreg [dreg:$0x2];
	[bflag:$0x3] =	sbarrier.arrive $0xFFFF;
	s2 =	simm.s32 @!p0 $0x1C02  }
0x1ab: {  	[timem:s3], [sflag:s2] =	dma.local @!p0 [hbm:s0], s1  }
0x1ac: {  	s0 =	simm.s32 @!p0 $0x2  }
0x1ad: {  	_ =	swait.ge @!p0 [sflag:s0], s1  }
0x1ae: {  	s1 =	ssub.s32 @!p0 $0x0, s1;
	[sflag:s0] =	ssyncset.done @!p0 $0x0  }
0x1af: {  	[sflag:s0] =	ssyncadd.s32 @!p0 s1  }
0x1b0: {  	[bflag:$0x3] =	sbarrier.arrive $0xFFFF  }
0x1b1: {  	_ =	shalt  }

</sc_bundles>
